<compile_context>
chip_gen: v7x
topology: tpu7x:2x2x1
jax: 0.10.2.dev20260603
libtpu: 0.0.44.dev20260713+nightly
codegen_flags: <defaults>
</compile_context>

<pallas_src>
import functools

import jax
import jax.numpy as jnp
from jax import lax
from jax.experimental import pallas as pl
from jax.experimental.pallas import tpu as pltpu
from jax.experimental.pallas import tpu_sc as plsc

NC = 2
NS = 16
L = 16
NW = NC * NS
K = 128


def _mesh():
    return plsc.VectorSubcoreMesh(core_axis_name="c", subcore_axis_name="s")


def _make_deg_kernel(NP, EW):
    assert EW % (L * 4) == 0

    @functools.partial(
        pl.kernel,
        out_type=jax.ShapeDtypeStruct((NW, NP), jnp.float32),
        mesh=_mesh(),
        scratch_types=[
            pltpu.VMEM((EW // L, L), jnp.int32),
            pltpu.VMEM((NP,), jnp.float32),
        ],
        compiler_params=pltpu.CompilerParams(needs_layout_passes=False),
    )
    def deg_kernel(row_hbm, out_hbm, idx_v, acc_v):
        c = lax.axis_index("c")
        s = lax.axis_index("s")
        wid = s * NC + c
        pltpu.sync_copy(row_hbm.at[wid], idx_v)
        zero = jnp.zeros((L,), jnp.float32)

        def zbody(j, carry):
            acc_v[pl.ds(j * L, L)] = zero
            return carry

        lax.fori_loop(0, NP // L, zbody, 0)
        ones = jnp.ones((L,), jnp.float32)

        def body(j, carry):
            for u in range(4):
                idx = idx_v[j * 4 + u, :]
                plsc.addupdate_scatter(acc_v, [idx], ones)
            return carry

        lax.fori_loop(0, EW // (L * 4), body, 0)
        pltpu.sync_copy(acc_v, out_hbm.at[wid])

    return deg_kernel


def _make_edge_kernel(NP, CW):
    RS = NP // NS
    D = 128
    assert CW % 2 == 1 and CW >= 3

    @functools.partial(
        pl.kernel,
        out_type=jax.ShapeDtypeStruct((NC * NP, D), jnp.float32),
        mesh=_mesh(),
        scratch_types=[
            pltpu.VMEM((CW, K), jnp.int32),
            pltpu.VMEM((2, K), jnp.int32),
            pltpu.VMEM((K, D), jnp.float32),
            pltpu.VMEM((K, D), jnp.float32),
            pltpu.VMEM_SHARED((NP, D), jnp.float32),
            pltpu.SemaphoreType.DMA,
            pltpu.SemaphoreType.DMA,
            pltpu.SemaphoreType.DMA,
            pltpu.SemaphoreType.DMA,
        ],
    )
    def edge_kernel(g_hbm, ridx_hbm, cidx_hbm, out_hbm, ridx_v, cring,
                    rows_a, rows_b, acc_sh, sem_a, sem_b, sem_c0, sem_c1):
        c = lax.axis_index("c")
        s = lax.axis_index("s")
        wid = s * NC + c
        cw = cidx_hbm.at[wid]
        pltpu.sync_copy(ridx_hbm.at[wid], ridx_v)
        pltpu.async_copy(g_hbm.at[ridx_v.at[0, pl.ds(0, 64)]],
                         rows_a.at[pl.ds(0, 64)], sem_a)
        pltpu.async_copy(g_hbm.at[ridx_v.at[0, pl.ds(64, 64)]],
                         rows_a.at[pl.ds(64, 64)], sem_a)
        pltpu.async_copy(cw.at[0], cring.at[0], sem_c0)
        pltpu.async_copy(cw.at[1], cring.at[1], sem_c1)
        pltpu.sync_copy(g_hbm.at[pl.ds(s * RS, RS)],
                        acc_sh.at[pl.ds(s * RS, RS)])
        plsc.subcore_barrier()

        def body(i, carry):
            j0 = 2 * i
            pltpu.make_async_copy(g_hbm.at[ridx_v.at[j0]], rows_a,
                                  sem_a).wait()
            pltpu.async_copy(g_hbm.at[ridx_v.at[j0 + 1, pl.ds(0, 64)]],
                             rows_b.at[pl.ds(0, 64)], sem_b)
            pltpu.async_copy(g_hbm.at[ridx_v.at[j0 + 1, pl.ds(64, 64)]],
                             rows_b.at[pl.ds(64, 64)], sem_b)
            pltpu.make_async_copy(cw.at[j0], cring.at[0], sem_c0).wait()
            pltpu.async_copy(cw.at[j0 + 2], cring.at[0], sem_c0)
            pltpu.make_async_copy(g_hbm.at[ridx_v.at[j0 + 1]], rows_b,
                                  sem_b).wait()
            pltpu.async_copy(g_hbm.at[ridx_v.at[j0 + 2, pl.ds(0, 64)]],
                             rows_a.at[pl.ds(0, 64)], sem_a)
            pltpu.async_copy(g_hbm.at[ridx_v.at[j0 + 2, pl.ds(64, 64)]],
                             rows_a.at[pl.ds(64, 64)], sem_a)
            pltpu.make_async_copy(cw.at[j0 + 1], cring.at[1], sem_c1).wait()
            pltpu.async_copy(cw.at[j0 + 3], cring.at[1], sem_c1)
            return carry

        lax.fori_loop(0, CW // 2, body, 0)
        jl = CW - 1
        pltpu.make_async_copy(g_hbm.at[ridx_v.at[jl]], rows_a, sem_a).wait()
        pltpu.make_async_copy(cw.at[jl], cring.at[0], sem_c0).wait()
        pltpu.make_async_copy(cw.at[jl + 1], cring.at[1], sem_c1).wait()
        plsc.subcore_barrier()
        pltpu.sync_copy(acc_sh.at[pl.ds(s * RS, RS)],
                        out_hbm.at[pl.ds(c * NP + s * RS, RS)])

    return edge_kernel


def _pre_kernel(x_ref, w_ref, b_ref, degp_ref, g_ref, d_ref):
    h = lax.dot_general(x_ref[...], w_ref[...], (((1,), (1,)), ((), ())),
                        preferred_element_type=jnp.float32)
    h = h + b_ref[...]
    deg = jnp.sum(degp_ref[...], axis=0) + 1.0
    d = lax.rsqrt(deg)
    g_ref[...] = h * d[:, None]
    d_ref[...] = d[:, None]


def _post_kernel(p_ref, g_ref, d_ref, o_ref):
    acc = p_ref[0] + p_ref[1] - g_ref[...]
    o_ref[...] = acc * d_ref[...]


def kernel(x, edge_index, W, b):
    N, D_IN = x.shape
    D = W.shape[0]
    E = edge_index.shape[1]
    NP = 10240
    assert N < NP
    CW = -(-E // (NW * K))
    if CW % 2 == 0:
        CW += 1
    E_pad = NW * CW * K
    pad = E_pad - E
    EW_d = -(-E // (NW * L * 4)) * L * 4
    pad_d = NW * EW_d - E

    row = edge_index[0]
    col = edge_index[1]
    row_d = jnp.concatenate([row, jnp.full((pad_d,), N, jnp.int32)])
    row_s = jnp.concatenate([row, jnp.zeros((pad,), jnp.int32)])
    col_s = jnp.concatenate([col, jnp.full((pad,), N, jnp.int32)])
    x_pad = jnp.pad(x, ((0, NP - N), (0, 0)))

    degp = _make_deg_kernel(NP, EW_d)(row_d.reshape(NW, EW_d // L, L))

    BR = 512
    grid = (NP // BR,)
    g, d = pl.pallas_call(
        _pre_kernel,
        grid=grid,
        in_specs=[
            pl.BlockSpec((BR, D_IN), lambda i: (i, 0)),
            pl.BlockSpec((D, D_IN), lambda i: (0, 0)),
            pl.BlockSpec((1, D), lambda i: (0, 0)),
            pl.BlockSpec((NW, BR), lambda i: (0, i)),
        ],
        out_specs=[
            pl.BlockSpec((BR, D), lambda i: (i, 0)),
            pl.BlockSpec((BR, 1), lambda i: (i, 0)),
        ],
        out_shape=[
            jax.ShapeDtypeStruct((NP, D), jnp.float32),
            jax.ShapeDtypeStruct((NP, 1), jnp.float32),
        ],
    )(x_pad, W, b.reshape(1, D), degp)

    cidx3 = jnp.pad(col_s.reshape(NW, CW, K), ((0, 0), (0, 1), (0, 0)))
    p = _make_edge_kernel(NP, CW)(g, row_s.reshape(NW, CW, K), cidx3)

    out = pl.pallas_call(
        _post_kernel,
        grid=grid,
        in_specs=[
            pl.BlockSpec((2, BR, D), lambda i: (0, i, 0)),
            pl.BlockSpec((BR, D), lambda i: (i, 0)),
            pl.BlockSpec((BR, 1), lambda i: (i, 0)),
        ],
        out_specs=pl.BlockSpec((BR, D), lambda i: (i, 0)),
        out_shape=jax.ShapeDtypeStruct((NP, D), jnp.float32),
    )(p.reshape(2, NP, D), g, d)

    return out[:N]

# --- scband reference (transcript-rebuilt; emitter-appended) ---
"""Pipeline reference for scband-gcnraw-33225867002499 (READ-ONLY COPY).

The authoritative reference and input builder live on the scoring server;
editing this copy changes nothing except your own understanding.
"""

import jax, jax.numpy as jnp
import numpy as np

N = 10000
E = 320000
D_IN = 128
D_OUT = 128


def setup_inputs(seed: int = 0) -> dict:
    key = jax.random.key(seed)
    k1, k2, k3, k4 = jax.random.split(key, 4)
    x = jax.random.normal(k1, (N, D_IN), dtype=jnp.float32)
    edge_index = jax.random.randint(k2, (2, E), 0, N, dtype=jnp.int32)
    # Linear layer params (torch nn.Linear: out = x @ W.T + b)
    bound = 1.0 / np.sqrt(D_IN)
    W = jax.random.uniform(k3, (D_OUT, D_IN), dtype=jnp.float32, minval=-bound, maxval=bound)
    b = jax.random.uniform(k4, (D_OUT,), dtype=jnp.float32, minval=-bound, maxval=bound)
    return {"x": x, "edge_index": edge_index, "W": W, "b": b}


def reference(x, edge_index, W, b):
    n = x.shape[0]
    # add_self_loops
    loops = jnp.arange(n, dtype=edge_index.dtype)
    ei = jnp.concatenate([edge_index, jnp.stack([loops, loops], axis=0)], axis=1)
    # linear transform
    h = x @ W.T + b
    row, col = ei[0], ei[1]
    # degree over source nodes (row); self-loops guarantee deg >= 1
    deg = jnp.bincount(row, length=n).astype(h.dtype)
    deg_inv_sqrt = deg ** (-0.5)
    norm = deg_inv_sqrt[row] * deg_inv_sqrt[col]
    # message: norm * x_j (gather from source)
    msg = norm[:, None] * h[row]
    # aggregate 'add' at target nodes (col)
    out = jax.ops.segment_sum(msg, col, num_segments=n)
    return out

if __name__ == "__main__":
    import jax
    _d = setup_inputs()
    print(jax.jit(kernel)(*tuple(_d.values())))

</pallas_src>

<mosaic_0001>
#map = affine_map<(d0, d1) -> (0, 0, 0)>
#map1 = affine_map<(d0, d1) -> (0, 0)>
module attributes {stable_mosaic.version = 14 : i64} {
  func.func @deg_kernel(%arg0: i32, %arg1: i32, %arg2: memref<32x628x16xi32, #tpu.memory_space<hbm>>, %arg3: memref<32x10240xf32, #tpu.memory_space<hbm>>, %arg4: memref<628x16xi32, #tpu.memory_space<vmem>>, %arg5: memref<10240xf32, #tpu.memory_space<vmem>>) attributes {dimension_semantics = [#tpu.dimension_semantics<core_parallel>, #tpu.dimension_semantics<subcore_parallel>], iteration_bounds = array<i64: 2, 16>, scalar_prefetch = 0 : i64, scratch_operands = 2 : i64, tpu.core_type = #tpu.core_type<sc_vector_subcore>, window_params = [{transform_indices = #map}, {transform_indices = #map1}]} {
    %mul3A = arith.constant 2 : i32
    %mul3A_0 = arith.muli %arg1, %mul3A : i32
    %add3A = arith.addi %mul3A_0, %arg0 : i32
    "tpu.region"() ({
      %run_scoped3A = tpu.sem_alloc : memref<!tpu.dma_semaphore, #tpu.memory_space<semaphore_mem>>
      %dma_start3A = arith.constant 0 : i32
      %dma_start3A_15 = arith.constant 0 : i32
      %dma_start3A_16 = tpu.memref_slice %arg2[%add3A, %dma_start3A, %dma_start3A_15] : memref<32x628x16xi32, #tpu.memory_space<hbm>> -> memref<1x628x16xi32, #tpu.memory_space<hbm>>
      %dma_start3A_17 = tpu.memref_squeeze %dma_start3A_16 : memref<1x628x16xi32, #tpu.memory_space<hbm>> -> memref<628x16xi32, #tpu.memory_space<hbm>>
      %dma_start3A_18 = arith.constant 0 : i32
      %dma_start3A_19 = arith.constant 0 : i32
      %dma_start3A_20 = tpu.memref_slice %arg2[%add3A, %dma_start3A_18, %dma_start3A_19] : memref<32x628x16xi32, #tpu.memory_space<hbm>> -> memref<1x628x16xi32, #tpu.memory_space<hbm>>
      %dma_start3A_21 = tpu.memref_squeeze %dma_start3A_20 : memref<1x628x16xi32, #tpu.memory_space<hbm>> -> memref<628x16xi32, #tpu.memory_space<hbm>>
      tpu.enqueue_dma source(%dma_start3A_21 : memref<628x16xi32, #tpu.memory_space<hbm>>) target(%arg4 : memref<628x16xi32, #tpu.memory_space<vmem>>) target_semaphore(%run_scoped3A : memref<!tpu.dma_semaphore, #tpu.memory_space<semaphore_mem>>)
      %dma_wait3A = arith.constant 0 : i32
      %dma_wait3A_22 = arith.constant 0 : i32
      %dma_wait3A_23 = tpu.memref_slice %arg2[%add3A, %dma_wait3A, %dma_wait3A_22] : memref<32x628x16xi32, #tpu.memory_space<hbm>> -> memref<1x628x16xi32, #tpu.memory_space<hbm>>
      %dma_wait3A_24 = tpu.memref_squeeze %dma_wait3A_23 : memref<1x628x16xi32, #tpu.memory_space<hbm>> -> memref<628x16xi32, #tpu.memory_space<hbm>>
      %dma_wait3A_25 = arith.constant 0 : i32
      %dma_wait3A_26 = arith.constant 0 : i32
      %dma_wait3A_27 = tpu.memref_slice %arg2[%add3A, %dma_wait3A_25, %dma_wait3A_26] : memref<32x628x16xi32, #tpu.memory_space<hbm>> -> memref<1x628x16xi32, #tpu.memory_space<hbm>>
      %dma_wait3A_28 = tpu.memref_squeeze %dma_wait3A_27 : memref<1x628x16xi32, #tpu.memory_space<hbm>> -> memref<628x16xi32, #tpu.memory_space<hbm>>
      tpu.wait_dma2 semaphore(%run_scoped3A : memref<!tpu.dma_semaphore, #tpu.memory_space<semaphore_mem>>) src(%dma_wait3A_28 : memref<628x16xi32, #tpu.memory_space<hbm>>) dst(%arg4 : memref<628x16xi32, #tpu.memory_space<vmem>>)
      tpu.yield
    }) : () -> ()
    %broadcast_in_dim3A = arith.constant 0.000000e+00 : f32
    %broadcast_in_dim3A_1 = vector.broadcast %broadcast_in_dim3A : f32 to vector<16xf32>
    %scan3A = arith.constant 0 : i32
    %scan3A_2 = arith.constant 0 : i32
    %scan3A_3 = arith.constant 640 : i32
    %scan3A_4 = arith.addi %scan3A_2, %scan3A_3 : i32
    %scan3A_5 = arith.constant 1 : i32
    scf.for %scan3A_15 = %scan3A_2 to %scan3A_4 step %scan3A_5  : i32 {
      %mul3A_16 = arith.constant 16 : i32
      %mul3A_17 = arith.muli %scan3A_15, %mul3A_16 : i32
      %swap3A = arith.index_cast %mul3A_17 : i32 to index
      %swap3A_18 = tpu.vector_load %arg5[%swap3A] {strides = array<i32>} : memref<10240xf32, #tpu.memory_space<vmem>>, vector<16xf32>,
      tpu.vector_store %arg5[%swap3A], %broadcast_in_dim3A_1 {strides = array<i32>} : memref<10240xf32, #tpu.memory_space<vmem>>, vector<16xf32>,
    }
    %scan3A_6 = arith.constant 640 : i32
    %broadcast_in_dim3A_7 = arith.constant 1.000000e+00 : f32
    %broadcast_in_dim3A_8 = vector.broadcast %broadcast_in_dim3A_7 : f32 to vector<16xf32>
    %scan3A_9 = arith.constant 0 : i32
    %scan3A_10 = arith.constant 0 : i32
    %scan3A_11 = arith.constant 157 : i32
    %scan3A_12 = arith.addi %scan3A_10, %scan3A_11 : i32
    %scan3A_13 = arith.constant 1 : i32
    scf.for %scan3A_15 = %scan3A_10 to %scan3A_12 step %scan3A_13  : i32 {
      %mul3A_16 = arith.constant 4 : i32
      %mul3A_17 = arith.muli %scan3A_15, %mul3A_16 : i32
      %add3A_18 = arith.constant 0 : i32
      %add3A_19 = arith.addi %mul3A_17, %add3A_18 : i32
      %get3A = arith.index_cast %add3A_19 : i32 to index
      %get3A_20 = arith.constant 0 : index
      %get3A_21 = tpu.vector_load %arg4[%get3A, %get3A_20] {strides = array<i32>} : memref<628x16xi32, #tpu.memory_space<vmem>>, vector<16xi32>,
      tpu.vector_store_idx %arg5[%get3A_21], %broadcast_in_dim3A_8 {add = true} : memref<10240xf32, #tpu.memory_space<vmem>>[vector<16xi32>], vector<16xf32>,
      %mul3A_22 = arith.constant 4 : i32
      %mul3A_23 = arith.muli %scan3A_15, %mul3A_22 : i32
      %add3A_24 = arith.constant 1 : i32
      %add3A_25 = arith.addi %mul3A_23, %add3A_24 : i32
      %get3A_26 = arith.index_cast %add3A_25 : i32 to index
      %get3A_27 = arith.constant 0 : index
      %get3A_28 = tpu.vector_load %arg4[%get3A_26, %get3A_27] {strides = array<i32>} : memref<628x16xi32, #tpu.memory_space<vmem>>, vector<16xi32>,
      tpu.vector_store_idx %arg5[%get3A_28], %broadcast_in_dim3A_8 {add = true} : memref<10240xf32, #tpu.memory_space<vmem>>[vector<16xi32>], vector<16xf32>,
      %mul3A_29 = arith.constant 4 : i32
      %mul3A_30 = arith.muli %scan3A_15, %mul3A_29 : i32
      %add3A_31 = arith.constant 2 : i32
      %add3A_32 = arith.addi %mul3A_30, %add3A_31 : i32
      %get3A_33 = arith.index_cast %add3A_32 : i32 to index
      %get3A_34 = arith.constant 0 : index
      %get3A_35 = tpu.vector_load %arg4[%get3A_33, %get3A_34] {strides = array<i32>} : memref<628x16xi32, #tpu.memory_space<vmem>>, vector<16xi32>,
      tpu.vector_store_idx %arg5[%get3A_35], %broadcast_in_dim3A_8 {add = true} : memref<10240xf32, #tpu.memory_space<vmem>>[vector<16xi32>], vector<16xf32>,
      %mul3A_36 = arith.constant 4 : i32
      %mul3A_37 = arith.muli %scan3A_15, %mul3A_36 : i32
      %add3A_38 = arith.constant 3 : i32
      %add3A_39 = arith.addi %mul3A_37, %add3A_38 : i32
      %get3A_40 = arith.index_cast %add3A_39 : i32 to index
      %get3A_41 = arith.constant 0 : index
      %get3A_42 = tpu.vector_load %arg4[%get3A_40, %get3A_41] {strides = array<i32>} : memref<628x16xi32, #tpu.memory_space<vmem>>, vector<16xi32>,
      tpu.vector_store_idx %arg5[%get3A_42], %broadcast_in_dim3A_8 {add = true} : memref<10240xf32, #tpu.memory_space<vmem>>[vector<16xi32>], vector<16xf32>,
    }
    %scan3A_14 = arith.constant 157 : i32
    "tpu.region"() ({
      %run_scoped3A = tpu.sem_alloc : memref<!tpu.dma_semaphore, #tpu.memory_space<semaphore_mem>>
      %dma_start3A = arith.constant 0 : i32
      %dma_start3A_15 = tpu.memref_slice %arg3[%add3A, %dma_start3A] : memref<32x10240xf32, #tpu.memory_space<hbm>> -> memref<1x10240xf32, #tpu.memory_space<hbm>>
      %dma_start3A_16 = tpu.memref_squeeze %dma_start3A_15 : memref<1x10240xf32, #tpu.memory_space<hbm>> -> memref<10240xf32, #tpu.memory_space<hbm>>
      %dma_start3A_17 = arith.constant 0 : i32
      %dma_start3A_18 = tpu.memref_slice %arg3[%add3A, %dma_start3A_17] : memref<32x10240xf32, #tpu.memory_space<hbm>> -> memref<1x10240xf32, #tpu.memory_space<hbm>>
      %dma_start3A_19 = tpu.memref_squeeze %dma_start3A_18 : memref<1x10240xf32, #tpu.memory_space<hbm>> -> memref<10240xf32, #tpu.memory_space<hbm>>
      tpu.enqueue_dma source(%arg5 : memref<10240xf32, #tpu.memory_space<vmem>>) target(%dma_start3A_19 : memref<10240xf32, #tpu.memory_space<hbm>>) target_semaphore(%run_scoped3A : memref<!tpu.dma_semaphore, #tpu.memory_space<semaphore_mem>>)
      %dma_wait3A = arith.constant 0 : i32
      %dma_wait3A_20 = tpu.memref_slice %arg3[%add3A, %dma_wait3A] : memref<32x10240xf32, #tpu.memory_space<hbm>> -> memref<1x10240xf32, #tpu.memory_space<hbm>>
      %dma_wait3A_21 = tpu.memref_squeeze %dma_wait3A_20 : memref<1x10240xf32, #tpu.memory_space<hbm>> -> memref<10240xf32, #tpu.memory_space<hbm>>
      %dma_wait3A_22 = arith.constant 0 : i32
      %dma_wait3A_23 = tpu.memref_slice %arg3[%add3A, %dma_wait3A_22] : memref<32x10240xf32, #tpu.memory_space<hbm>> -> memref<1x10240xf32, #tpu.memory_space<hbm>>
      %dma_wait3A_24 = tpu.memref_squeeze %dma_wait3A_23 : memref<1x10240xf32, #tpu.memory_space<hbm>> -> memref<10240xf32, #tpu.memory_space<hbm>>
      tpu.wait_dma2 semaphore(%run_scoped3A : memref<!tpu.dma_semaphore, #tpu.memory_space<semaphore_mem>>) src(%arg5 : memref<10240xf32, #tpu.memory_space<vmem>>) dst(%dma_wait3A_24 : memref<10240xf32, #tpu.memory_space<hbm>>)
      tpu.yield
    }) : () -> ()
    return
  }
}

#map = affine_map<(d0, d1) -> (0, 0)>
#map1 = affine_map<(d0, d1) -> (0, 0, 0)>
module attributes {stable_mosaic.version = 14 : i64} {
  func.func @edge_kernel(%arg0: i32, %arg1: i32, %arg2: memref<10240x128xf32, #tpu.memory_space<hbm>>, %arg3: memref<32x79x128xi32, #tpu.memory_space<hbm>>, %arg4: memref<32x80x128xi32, #tpu.memory_space<hbm>>, %arg5: memref<20480x128xf32, #tpu.memory_space<hbm>>, %arg6: memref<79x128xi32, #tpu.memory_space<vmem>>, %arg7: memref<2x128xi32, #tpu.memory_space<vmem>>, %arg8: memref<128x128xf32, #tpu.memory_space<vmem>>, %arg9: memref<128x128xf32, #tpu.memory_space<vmem>>, %arg10: memref<10240x128xf32, #tpu.memory_space<vmem_shared>>, %arg11: memref<!tpu.dma_semaphore, #tpu.memory_space<semaphore_mem>>, %arg12: memref<!tpu.dma_semaphore, #tpu.memory_space<semaphore_mem>>, %arg13: memref<!tpu.dma_semaphore, #tpu.memory_space<semaphore_mem>>, %arg14: memref<!tpu.dma_semaphore, #tpu.memory_space<semaphore_mem>>) attributes {dimension_semantics = [#tpu.dimension_semantics<core_parallel>, #tpu.dimension_semantics<subcore_parallel>], iteration_bounds = array<i64: 2, 16>, scalar_prefetch = 0 : i64, scratch_operands = 9 : i64, tpu.core_type = #tpu.core_type<sc_vector_subcore>, window_params = [{transform_indices = #map}, {transform_indices = #map1}, {transform_indices = #map1}, {transform_indices = #map}]} {
    %mul3A = arith.constant 2 : i32
    %mul3A_0 = arith.muli %arg1, %mul3A : i32
    %add3A = arith.addi %mul3A_0, %arg0 : i32
    "tpu.region"() ({
      %run_scoped3A = tpu.sem_alloc : memref<!tpu.dma_semaphore, #tpu.memory_space<semaphore_mem>>
      %dma_start3A_131 = arith.constant 0 : i32
      %dma_start3A_132 = arith.constant 0 : i32
      %dma_start3A_133 = tpu.memref_slice %arg3[%add3A, %dma_start3A_131, %dma_start3A_132] : memref<32x79x128xi32, #tpu.memory_space<hbm>> -> memref<1x79x128xi32, #tpu.memory_space<hbm>>
      %dma_start3A_134 = tpu.memref_squeeze %dma_start3A_133 : memref<1x79x128xi32, #tpu.memory_space<hbm>> -> memref<79x128xi32, #tpu.memory_space<hbm>>
      %dma_start3A_135 = arith.constant 0 : i32
      %dma_start3A_136 = arith.constant 0 : i32
      %dma_start3A_137 = tpu.memref_slice %arg3[%add3A, %dma_start3A_135, %dma_start3A_136] : memref<32x79x128xi32, #tpu.memory_space<hbm>> -> memref<1x79x128xi32, #tpu.memory_space<hbm>>
      %dma_start3A_138 = tpu.memref_squeeze %dma_start3A_137 : memref<1x79x128xi32, #tpu.memory_space<hbm>> -> memref<79x128xi32, #tpu.memory_space<hbm>>
      tpu.enqueue_dma source(%dma_start3A_138 : memref<79x128xi32, #tpu.memory_space<hbm>>) target(%arg6 : memref<79x128xi32, #tpu.memory_space<vmem>>) target_semaphore(%run_scoped3A : memref<!tpu.dma_semaphore, #tpu.memory_space<semaphore_mem>>)
      %dma_wait3A_139 = arith.constant 0 : i32
      %dma_wait3A_140 = arith.constant 0 : i32
      %dma_wait3A_141 = tpu.memref_slice %arg3[%add3A, %dma_wait3A_139, %dma_wait3A_140] : memref<32x79x128xi32, #tpu.memory_space<hbm>> -> memref<1x79x128xi32, #tpu.memory_space<hbm>>
      %dma_wait3A_142 = tpu.memref_squeeze %dma_wait3A_141 : memref<1x79x128xi32, #tpu.memory_space<hbm>> -> memref<79x128xi32, #tpu.memory_space<hbm>>
      %dma_wait3A_143 = arith.constant 0 : i32
      %dma_wait3A_144 = arith.constant 0 : i32
      %dma_wait3A_145 = tpu.memref_slice %arg3[%add3A, %dma_wait3A_143, %dma_wait3A_144] : memref<32x79x128xi32, #tpu.memory_space<hbm>> -> memref<1x79x128xi32, #tpu.memory_space<hbm>>
      %dma_wait3A_146 = tpu.memref_squeeze %dma_wait3A_145 : memref<1x79x128xi32, #tpu.memory_space<hbm>> -> memref<79x128xi32, #tpu.memory_space<hbm>>
      tpu.wait_dma2 semaphore(%run_scoped3A : memref<!tpu.dma_semaphore, #tpu.memory_space<semaphore_mem>>) src(%dma_wait3A_146 : memref<79x128xi32, #tpu.memory_space<hbm>>) dst(%arg6 : memref<79x128xi32, #tpu.memory_space<vmem>>)
      tpu.yield
    }) : () -> ()
    %dma_start3A = arith.constant 0 : i32
    %dma_start3A_1 = arith.constant 0 : i32
    %dma_start3A_2 = arith.constant 0 : i32
    %dma_start3A_3 = tpu.memref_slice %arg8[%dma_start3A_1, %dma_start3A_2] : memref<128x128xf32, #tpu.memory_space<vmem>> -> memref<64x128xf32, #tpu.memory_space<vmem>>
    %dma_start3A_4 = arith.constant 0 : i32
    %dma_start3A_5 = tpu.memref_slice %arg6[%dma_start3A, %dma_start3A_4] : memref<79x128xi32, #tpu.memory_space<vmem>> -> memref<1x64xi32, #tpu.memory_space<vmem>>
    %dma_start3A_6 = tpu.memref_squeeze %dma_start3A_5 : memref<1x64xi32, #tpu.memory_space<vmem>> -> memref<64xi32, #tpu.memory_space<vmem>>
    %dma_start3A_7 = arith.constant 0 : i32
    %dma_start3A_8 = arith.constant 0 : i32
    %dma_start3A_9 = tpu.memref_slice %arg2[%dma_start3A_7, %dma_start3A_8] : memref<10240x128xf32, #tpu.memory_space<hbm>> -> memref<10240x128xf32, #tpu.memory_space<hbm>>
    tpu.enqueue_indirect_dma source(%dma_start3A_9 : memref<10240x128xf32, #tpu.memory_space<hbm>>) target(%dma_start3A_3 : memref<64x128xf32, #tpu.memory_space<vmem>>) offsets(%dma_start3A_6 : memref<64xi32, #tpu.memory_space<vmem>>) semaphore(%arg11 : memref<!tpu.dma_semaphore, #tpu.memory_space<semaphore_mem>>)
    %dma_start3A_10 = arith.constant 0 : i32
    %dma_start3A_11 = arith.constant 64 : i32
    %dma_start3A_12 = arith.constant 0 : i32
    %dma_start3A_13 = tpu.memref_slice %arg8[%dma_start3A_11, %dma_start3A_12] : memref<128x128xf32, #tpu.memory_space<vmem>> -> memref<64x128xf32, #tpu.memory_space<vmem>>
    %dma_start3A_14 = arith.constant 64 : i32
    %dma_start3A_15 = tpu.memref_slice %arg6[%dma_start3A_10, %dma_start3A_14] : memref<79x128xi32, #tpu.memory_space<vmem>> -> memref<1x64xi32, #tpu.memory_space<vmem>>
    %dma_start3A_16 = tpu.memref_squeeze %dma_start3A_15 : memref<1x64xi32, #tpu.memory_space<vmem>> -> memref<64xi32, #tpu.memory_space<vmem>>
    %dma_start3A_17 = arith.constant 0 : i32
    %dma_start3A_18 = arith.constant 0 : i32
    %dma_start3A_19 = tpu.memref_slice %arg2[%dma_start3A_17, %dma_start3A_18] : memref<10240x128xf32, #tpu.memory_space<hbm>> -> memref<10240x128xf32, #tpu.memory_space<hbm>>
    tpu.enqueue_indirect_dma source(%dma_start3A_19 : memref<10240x128xf32, #tpu.memory_space<hbm>>) target(%dma_start3A_13 : memref<64x128xf32, #tpu.memory_space<vmem>>) offsets(%dma_start3A_16 : memref<64xi32, #tpu.memory_space<vmem>>) semaphore(%arg11 : memref<!tpu.dma_semaphore, #tpu.memory_space<semaphore_mem>>)
    %dma_start3A_20 = arith.constant 0 : i32
    %dma_start3A_21 = arith.constant 0 : i32
    %dma_start3A_22 = arith.constant 0 : i32
    %dma_start3A_23 = tpu.memref_slice %arg7[%dma_start3A_21, %dma_start3A_22] : memref<2x128xi32, #tpu.memory_space<vmem>> -> memref<1x128xi32, #tpu.memory_space<vmem>>
    %dma_start3A_24 = tpu.memref_squeeze %dma_start3A_23 : memref<1x128xi32, #tpu.memory_space<vmem>> -> memref<128xi32, #tpu.memory_space<vmem>>
    %dma_start3A_25 = arith.constant 0 : i32
    %dma_start3A_26 = arith.constant 0 : i32
    %dma_start3A_27 = tpu.memref_slice %arg4[%add3A, %dma_start3A_25, %dma_start3A_26] : memref<32x80x128xi32, #tpu.memory_space<hbm>> -> memref<1x80x128xi32, #tpu.memory_space<hbm>>
    %dma_start3A_28 = tpu.memref_squeeze %dma_start3A_27 : memref<1x80x128xi32, #tpu.memory_space<hbm>> -> memref<80x128xi32, #tpu.memory_space<hbm>>
    %dma_start3A_29 = arith.constant 0 : i32
    %dma_start3A_30 = tpu.memref_slice %dma_start3A_28[%dma_start3A_20, %dma_start3A_29] : memref<80x128xi32, #tpu.memory_space<hbm>> -> memref<1x128xi32, #tpu.memory_space<hbm>>
    %dma_start3A_31 = tpu.memref_squeeze %dma_start3A_30 : memref<1x128xi32, #tpu.memory_space<hbm>> -> memref<128xi32, #tpu.memory_space<hbm>>
    %dma_start3A_32 = arith.constant 0 : i32
    %dma_start3A_33 = tpu.memref_slice %arg7[%dma_start3A_21, %dma_start3A_32] : memref<2x128xi32, #tpu.memory_space<vmem>> -> memref<1x128xi32, #tpu.memory_space<vmem>>
    %dma_start3A_34 = tpu.memref_squeeze %dma_start3A_33 : memref<1x128xi32, #tpu.memory_space<vmem>> -> memref<128xi32, #tpu.memory_space<vmem>>
    %dma_start3A_35 = arith.constant 0 : i32
    %dma_start3A_36 = arith.constant 0 : i32
    %dma_start3A_37 = tpu.memref_slice %arg4[%add3A, %dma_start3A_35, %dma_start3A_36] : memref<32x80x128xi32, #tpu.memory_space<hbm>> -> memref<1x80x128xi32, #tpu.memory_space<hbm>>
    %dma_start3A_38 = tpu.memref_squeeze %dma_start3A_37 : memref<1x80x128xi32, #tpu.memory_space<hbm>> -> memref<80x128xi32, #tpu.memory_space<hbm>>
    %dma_start3A_39 = arith.constant 0 : i32
    %dma_start3A_40 = tpu.memref_slice %dma_start3A_38[%dma_start3A_20, %dma_start3A_39] : memref<80x128xi32, #tpu.memory_space<hbm>> -> memref<1x128xi32, #tpu.memory_space<hbm>>
    %dma_start3A_41 = tpu.memref_squeeze %dma_start3A_40 : memref<1x128xi32, #tpu.memory_space<hbm>> -> memref<128xi32, #tpu.memory_space<hbm>>
    tpu.enqueue_dma source(%dma_start3A_41 : memref<128xi32, #tpu.memory_space<hbm>>) target(%dma_start3A_34 : memref<128xi32, #tpu.memory_space<vmem>>) target_semaphore(%arg13 : memref<!tpu.dma_semaphore, #tpu.memory_space<semaphore_mem>>)
    %dma_start3A_42 = arith.constant 1 : i32
    %dma_start3A_43 = arith.constant 1 : i32
    %dma_start3A_44 = arith.constant 0 : i32
    %dma_start3A_45 = tpu.memref_slice %arg7[%dma_start3A_43, %dma_start3A_44] : memref<2x128xi32, #tpu.memory_space<vmem>> -> memref<1x128xi32, #tpu.memory_space<vmem>>
    %dma_start3A_46 = tpu.memref_squeeze %dma_start3A_45 : memref<1x128xi32, #tpu.memory_space<vmem>> -> memref<128xi32, #tpu.memory_space<vmem>>
    %dma_start3A_47 = arith.constant 0 : i32
    %dma_start3A_48 = arith.constant 0 : i32
    %dma_start3A_49 = tpu.memref_slice %arg4[%add3A, %dma_start3A_47, %dma_start3A_48] : memref<32x80x128xi32, #tpu.memory_space<hbm>> -> memref<1x80x128xi32, #tpu.memory_space<hbm>>
    %dma_start3A_50 = tpu.memref_squeeze %dma_start3A_49 : memref<1x80x128xi32, #tpu.memory_space<hbm>> -> memref<80x128xi32, #tpu.memory_space<hbm>>
    %dma_start3A_51 = arith.constant 0 : i32
    %dma_start3A_52 = tpu.memref_slice %dma_start3A_50[%dma_start3A_42, %dma_start3A_51] : memref<80x128xi32, #tpu.memory_space<hbm>> -> memref<1x128xi32, #tpu.memory_space<hbm>>
    %dma_start3A_53 = tpu.memref_squeeze %dma_start3A_52 : memref<1x128xi32, #tpu.memory_space<hbm>> -> memref<128xi32, #tpu.memory_space<hbm>>
    %dma_start3A_54 = arith.constant 0 : i32
    %dma_start3A_55 = tpu.memref_slice %arg7[%dma_start3A_43, %dma_start3A_54] : memref<2x128xi32, #tpu.memory_space<vmem>> -> memref<1x128xi32, #tpu.memory_space<vmem>>
    %dma_start3A_56 = tpu.memref_squeeze %dma_start3A_55 : memref<1x128xi32, #tpu.memory_space<vmem>> -> memref<128xi32, #tpu.memory_space<vmem>>
    %dma_start3A_57 = arith.constant 0 : i32
    %dma_start3A_58 = arith.constant 0 : i32
    %dma_start3A_59 = tpu.memref_slice %arg4[%add3A, %dma_start3A_57, %dma_start3A_58] : memref<32x80x128xi32, #tpu.memory_space<hbm>> -> memref<1x80x128xi32, #tpu.memory_space<hbm>>
    %dma_start3A_60 = tpu.memref_squeeze %dma_start3A_59 : memref<1x80x128xi32, #tpu.memory_space<hbm>> -> memref<80x128xi32, #tpu.memory_space<hbm>>
    %dma_start3A_61 = arith.constant 0 : i32
    %dma_start3A_62 = tpu.memref_slice %dma_start3A_60[%dma_start3A_42, %dma_start3A_61] : memref<80x128xi32, #tpu.memory_space<hbm>> -> memref<1x128xi32, #tpu.memory_space<hbm>>
    %dma_start3A_63 = tpu.memref_squeeze %dma_start3A_62 : memref<1x128xi32, #tpu.memory_space<hbm>> -> memref<128xi32, #tpu.memory_space<hbm>>
    tpu.enqueue_dma source(%dma_start3A_63 : memref<128xi32, #tpu.memory_space<hbm>>) target(%dma_start3A_56 : memref<128xi32, #tpu.memory_space<vmem>>) target_semaphore(%arg14 : memref<!tpu.dma_semaphore, #tpu.memory_space<semaphore_mem>>)
    %mul3A_64 = arith.constant 640 : i32
    %mul3A_65 = arith.muli %arg1, %mul3A_64 : i32
    %mul3A_66 = arith.constant 640 : i32
    %mul3A_67 = arith.muli %arg1, %mul3A_66 : i32
    "tpu.region"() ({
      %run_scoped3A = tpu.sem_alloc : memref<!tpu.dma_semaphore, #tpu.memory_space<semaphore_mem>>
      %dma_start3A_131 = arith.constant 0 : i32
      %dma_start3A_132 = tpu.memref_slice %arg10[%mul3A_67, %dma_start3A_131] : memref<10240x128xf32, #tpu.memory_space<vmem_shared>> -> memref<640x128xf32, #tpu.memory_space<vmem_shared>>
      %dma_start3A_133 = arith.constant 0 : i32
      %dma_start3A_134 = tpu.memref_slice %arg2[%mul3A_65, %dma_start3A_133] : memref<10240x128xf32, #tpu.memory_space<hbm>> -> memref<640x128xf32, #tpu.memory_space<hbm>>
      tpu.enqueue_dma source(%dma_start3A_134 : memref<640x128xf32, #tpu.memory_space<hbm>>) target(%dma_start3A_132 : memref<640x128xf32, #tpu.memory_space<vmem_shared>>) target_semaphore(%run_scoped3A : memref<!tpu.dma_semaphore, #tpu.memory_space<semaphore_mem>>)
      %dma_wait3A_135 = arith.constant 0 : i32
      %dma_wait3A_136 = tpu.memref_slice %arg10[%mul3A_67, %dma_wait3A_135] : memref<10240x128xf32, #tpu.memory_space<vmem_shared>> -> memref<640x128xf32, #tpu.memory_space<vmem_shared>>
      %dma_wait3A_137 = arith.constant 0 : i32
      %dma_wait3A_138 = tpu.memref_slice %arg2[%mul3A_65, %dma_wait3A_137] : memref<10240x128xf32, #tpu.memory_space<hbm>> -> memref<640x128xf32, #tpu.memory_space<hbm>>
      tpu.wait_dma2 semaphore(%run_scoped3A : memref<!tpu.dma_semaphore, #tpu.memory_space<semaphore_mem>>) src(%dma_wait3A_138 : memref<640x128xf32, #tpu.memory_space<hbm>>) dst(%dma_wait3A_136 : memref<640x128xf32, #tpu.memory_space<vmem_shared>>)
      tpu.yield
    }) : () -> ()
    %barrier3A = arith.constant 0 : index
    tpu.barrier barrier_id(%barrier3A)
    %scan3A = arith.constant 0 : i32
    %scan3A_68 = arith.constant 0 : i32
    %scan3A_69 = arith.constant 39 : i32
    %scan3A_70 = arith.addi %scan3A_68, %scan3A_69 : i32
    %scan3A_71 = arith.constant 1 : i32
    scf.for %scan3A_131 = %scan3A_68 to %scan3A_70 step %scan3A_71  : i32 {
      %mul3A_132 = arith.constant 2 : i32
      %mul3A_133 = arith.muli %mul3A_132, %scan3A_131 : i32
      %dma_wait3A_134 = arith.constant 0 : i32
      %dma_wait3A_135 = tpu.memref_slice %arg6[%mul3A_133, %dma_wait3A_134] : memref<79x128xi32, #tpu.memory_space<vmem>> -> memref<1x128xi32, #tpu.memory_space<vmem>>
      %dma_wait3A_136 = tpu.memref_squeeze %dma_wait3A_135 : memref<1x128xi32, #tpu.memory_space<vmem>> -> memref<128xi32, #tpu.memory_space<vmem>>
      %dma_wait3A_137 = arith.constant 0 : i32
      %dma_wait3A_138 = arith.constant 0 : i32
      %dma_wait3A_139 = tpu.memref_slice %arg2[%dma_wait3A_137, %dma_wait3A_138] : memref<10240x128xf32, #tpu.memory_space<hbm>> -> memref<10240x128xf32, #tpu.memory_space<hbm>>
      tpu.wait_indirect_dma semaphore(%arg11 : memref<!tpu.dma_semaphore, #tpu.memory_space<semaphore_mem>>) src(%dma_wait3A_139 : memref<10240x128xf32, #tpu.memory_space<hbm>>) dst(%arg8 : memref<128x128xf32, #tpu.memory_space<vmem>>)
      %add3A_140 = arith.constant 1 : i32
      %add3A_141 = arith.addi %mul3A_133, %add3A_140 : i32
      %dma_start3A_142 = arith.constant 0 : i32
      %dma_start3A_143 = arith.constant 0 : i32
      %dma_start3A_144 = tpu.memref_slice %arg9[%dma_start3A_142, %dma_start3A_143] : memref<128x128xf32, #tpu.memory_space<vmem>> -> memref<64x128xf32, #tpu.memory_space<vmem>>
      %dma_start3A_145 = arith.constant 0 : i32
      %dma_start3A_146 = tpu.memref_slice %arg6[%add3A_141, %dma_start3A_145] : memref<79x128xi32, #tpu.memory_space<vmem>> -> memref<1x64xi32, #tpu.memory_space<vmem>>
      %dma_start3A_147 = tpu.memref_squeeze %dma_start3A_146 : memref<1x64xi32, #tpu.memory_space<vmem>> -> memref<64xi32, #tpu.memory_space<vmem>>
      %dma_start3A_148 = arith.constant 0 : i32
      %dma_start3A_149 = arith.constant 0 : i32
      %dma_start3A_150 = tpu.memref_slice %arg2[%dma_start3A_148, %dma_start3A_149] : memref<10240x128xf32, #tpu.memory_space<hbm>> -> memref<10240x128xf32, #tpu.memory_space<hbm>>
      tpu.enqueue_indirect_dma source(%dma_start3A_150 : memref<10240x128xf32, #tpu.memory_space<hbm>>) target(%dma_start3A_144 : memref<64x128xf32, #tpu.memory_space<vmem>>) offsets(%dma_start3A_147 : memref<64xi32, #tpu.memory_space<vmem>>) semaphore(%arg12 : memref<!tpu.dma_semaphore, #tpu.memory_space<semaphore_mem>>)
      %add3A_151 = arith.constant 1 : i32
      %add3A_152 = arith.addi %mul3A_133, %add3A_151 : i32
      %dma_start3A_153 = arith.constant 64 : i32
      %dma_start3A_154 = arith.constant 0 : i32
      %dma_start3A_155 = tpu.memref_slice %arg9[%dma_start3A_153, %dma_start3A_154] : memref<128x128xf32, #tpu.memory_space<vmem>> -> memref<64x128xf32, #tpu.memory_space<vmem>>
      %dma_start3A_156 = arith.constant 64 : i32
      %dma_start3A_157 = tpu.memref_slice %arg6[%add3A_152, %dma_start3A_156] : memref<79x128xi32, #tpu.memory_space<vmem>> -> memref<1x64xi32, #tpu.memory_space<vmem>>
      %dma_start3A_158 = tpu.memref_squeeze %dma_start3A_157 : memref<1x64xi32, #tpu.memory_space<vmem>> -> memref<64xi32, #tpu.memory_space<vmem>>
      %dma_start3A_159 = arith.constant 0 : i32
      %dma_start3A_160 = arith.constant 0 : i32
      %dma_start3A_161 = tpu.memref_slice %arg2[%dma_start3A_159, %dma_start3A_160] : memref<10240x128xf32, #tpu.memory_space<hbm>> -> memref<10240x128xf32, #tpu.memory_space<hbm>>
      tpu.enqueue_indirect_dma source(%dma_start3A_161 : memref<10240x128xf32, #tpu.memory_space<hbm>>) target(%dma_start3A_155 : memref<64x128xf32, #tpu.memory_space<vmem>>) offsets(%dma_start3A_158 : memref<64xi32, #tpu.memory_space<vmem>>) semaphore(%arg12 : memref<!tpu.dma_semaphore, #tpu.memory_space<semaphore_mem>>)
      %dma_wait3A_162 = arith.constant 0 : i32
      %dma_wait3A_163 = arith.constant 0 : i32
      %dma_wait3A_164 = tpu.memref_slice %arg7[%dma_wait3A_162, %dma_wait3A_163] : memref<2x128xi32, #tpu.memory_space<vmem>> -> memref<1x128xi32, #tpu.memory_space<vmem>>
      %dma_wait3A_165 = tpu.memref_squeeze %dma_wait3A_164 : memref<1x128xi32, #tpu.memory_space<vmem>> -> memref<128xi32, #tpu.memory_space<vmem>>
      %dma_wait3A_166 = arith.constant 0 : i32
      %dma_wait3A_167 = arith.constant 0 : i32
      %dma_wait3A_168 = tpu.memref_slice %arg4[%add3A, %dma_wait3A_166, %dma_wait3A_167] : memref<32x80x128xi32, #tpu.memory_space<hbm>> -> memref<1x80x128xi32, #tpu.memory_space<hbm>>
      %dma_wait3A_169 = tpu.memref_squeeze %dma_wait3A_168 : memref<1x80x128xi32, #tpu.memory_space<hbm>> -> memref<80x128xi32, #tpu.memory_space<hbm>>
      %dma_wait3A_170 = arith.constant 0 : i32
      %dma_wait3A_171 = tpu.memref_slice %dma_wait3A_169[%mul3A_133, %dma_wait3A_170] : memref<80x128xi32, #tpu.memory_space<hbm>> -> memref<1x128xi32, #tpu.memory_space<hbm>>
      %dma_wait3A_172 = tpu.memref_squeeze %dma_wait3A_171 : memref<1x128xi32, #tpu.memory_space<hbm>> -> memref<128xi32, #tpu.memory_space<hbm>>
      %dma_wait3A_173 = arith.constant 0 : i32
      %dma_wait3A_174 = tpu.memref_slice %arg7[%dma_wait3A_162, %dma_wait3A_173] : memref<2x128xi32, #tpu.memory_space<vmem>> -> memref<1x128xi32, #tpu.memory_space<vmem>>
      %dma_wait3A_175 = tpu.memref_squeeze %dma_wait3A_174 : memref<1x128xi32, #tpu.memory_space<vmem>> -> memref<128xi32, #tpu.memory_space<vmem>>
      %dma_wait3A_176 = arith.constant 0 : i32
      %dma_wait3A_177 = arith.constant 0 : i32
      %dma_wait3A_178 = tpu.memref_slice %arg4[%add3A, %dma_wait3A_176, %dma_wait3A_177] : memref<32x80x128xi32, #tpu.memory_space<hbm>> -> memref<1x80x128xi32, #tpu.memory_space<hbm>>
      %dma_wait3A_179 = tpu.memref_squeeze %dma_wait3A_178 : memref<1x80x128xi32, #tpu.memory_space<hbm>> -> memref<80x128xi32, #tpu.memory_space<hbm>>
      %dma_wait3A_180 = arith.constant 0 : i32
      %dma_wait3A_181 = tpu.memref_slice %dma_wait3A_179[%mul3A_133, %dma_wait3A_180] : memref<80x128xi32, #tpu.memory_space<hbm>> -> memref<1x128xi32, #tpu.memory_space<hbm>>
      %dma_wait3A_182 = tpu.memref_squeeze %dma_wait3A_181 : memref<1x128xi32, #tpu.memory_space<hbm>> -> memref<128xi32, #tpu.memory_space<hbm>>
      tpu.wait_dma2 semaphore(%arg13 : memref<!tpu.dma_semaphore, #tpu.memory_space<semaphore_mem>>) src(%dma_wait3A_182 : memref<128xi32, #tpu.memory_space<hbm>>) dst(%dma_wait3A_175 : memref<128xi32, #tpu.memory_space<vmem>>)
      %add3A_183 = arith.constant 2 : i32
      %add3A_184 = arith.addi %mul3A_133, %add3A_183 : i32
      %dma_start3A_185 = arith.constant 0 : i32
      %dma_start3A_186 = arith.constant 0 : i32
      %dma_start3A_187 = tpu.memref_slice %arg7[%dma_start3A_185, %dma_start3A_186] : memref<2x128xi32, #tpu.memory_space<vmem>> -> memref<1x128xi32, #tpu.memory_space<vmem>>
      %dma_start3A_188 = tpu.memref_squeeze %dma_start3A_187 : memref<1x128xi32, #tpu.memory_space<vmem>> -> memref<128xi32, #tpu.memory_space<vmem>>
      %dma_start3A_189 = arith.constant 0 : i32
      %dma_start3A_190 = arith.constant 0 : i32
      %dma_start3A_191 = tpu.memref_slice %arg4[%add3A, %dma_start3A_189, %dma_start3A_190] : memref<32x80x128xi32, #tpu.memory_space<hbm>> -> memref<1x80x128xi32, #tpu.memory_space<hbm>>
      %dma_start3A_192 = tpu.memref_squeeze %dma_start3A_191 : memref<1x80x128xi32, #tpu.memory_space<hbm>> -> memref<80x128xi32, #tpu.memory_space<hbm>>
      %dma_start3A_193 = arith.constant 0 : i32
      %dma_start3A_194 = tpu.memref_slice %dma_start3A_192[%add3A_184, %dma_start3A_193] : memref<80x128xi32, #tpu.memory_space<hbm>> -> memref<1x128xi32, #tpu.memory_space<hbm>>
      %dma_start3A_195 = tpu.memref_squeeze %dma_start3A_194 : memref<1x128xi32, #tpu.memory_space<hbm>> -> memref<128xi32, #tpu.memory_space<hbm>>
      %dma_start3A_196 = arith.constant 0 : i32
      %dma_start3A_197 = tpu.memref_slice %arg7[%dma_start3A_185, %dma_start3A_196] : memref<2x128xi32, #tpu.memory_space<vmem>> -> memref<1x128xi32, #tpu.memory_space<vmem>>
      %dma_start3A_198 = tpu.memref_squeeze %dma_start3A_197 : memref<1x128xi32, #tpu.memory_space<vmem>> -> memref<128xi32, #tpu.memory_space<vmem>>
      %dma_start3A_199 = arith.constant 0 : i32
      %dma_start3A_200 = arith.constant 0 : i32
      %dma_start3A_201 = tpu.memref_slice %arg4[%add3A, %dma_start3A_199, %dma_start3A_200] : memref<32x80x128xi32, #tpu.memory_space<hbm>> -> memref<1x80x128xi32, #tpu.memory_space<hbm>>
      %dma_start3A_202 = tpu.memref_squeeze %dma_start3A_201 : memref<1x80x128xi32, #tpu.memory_space<hbm>> -> memref<80x128xi32, #tpu.memory_space<hbm>>
      %dma_start3A_203 = arith.constant 0 : i32
      %dma_start3A_204 = tpu.memref_slice %dma_start3A_202[%add3A_184, %dma_start3A_203] : memref<80x128xi32, #tpu.memory_space<hbm>> -> memref<1x128xi32, #tpu.memory_space<hbm>>
      %dma_start3A_205 = tpu.memref_squeeze %dma_start3A_204 : memref<1x128xi32, #tpu.memory_space<hbm>> -> memref<128xi32, #tpu.memory_space<hbm>>
      tpu.enqueue_dma source(%dma_start3A_205 : memref<128xi32, #tpu.memory_space<hbm>>) target(%dma_start3A_198 : memref<128xi32, #tpu.memory_space<vmem>>) target_semaphore(%arg13 : memref<!tpu.dma_semaphore, #tpu.memory_space<semaphore_mem>>)
      %add3A_206 = arith.constant 1 : i32
      %add3A_207 = arith.addi %mul3A_133, %add3A_206 : i32
      %dma_wait3A_208 = arith.constant 0 : i32
      %dma_wait3A_209 = tpu.memref_slice %arg6[%add3A_207, %dma_wait3A_208] : memref<79x128xi32, #tpu.memory_space<vmem>> -> memref<1x128xi32, #tpu.memory_space<vmem>>
      %dma_wait3A_210 = tpu.memref_squeeze %dma_wait3A_209 : memref<1x128xi32, #tpu.memory_space<vmem>> -> memref<128xi32, #tpu.memory_space<vmem>>
      %dma_wait3A_211 = arith.constant 0 : i32
      %dma_wait3A_212 = arith.constant 0 : i32
      %dma_wait3A_213 = tpu.memref_slice %arg2[%dma_wait3A_211, %dma_wait3A_212] : memref<10240x128xf32, #tpu.memory_space<hbm>> -> memref<10240x128xf32, #tpu.memory_space<hbm>>
      tpu.wait_indirect_dma semaphore(%arg12 : memref<!tpu.dma_semaphore, #tpu.memory_space<semaphore_mem>>) src(%dma_wait3A_213 : memref<10240x128xf32, #tpu.memory_space<hbm>>) dst(%arg9 : memref<128x128xf32, #tpu.memory_space<vmem>>)
      %add3A_214 = arith.constant 2 : i32
      %add3A_215 = arith.addi %mul3A_133, %add3A_214 : i32
      %dma_start3A_216 = arith.constant 0 : i32
      %dma_start3A_217 = arith.constant 0 : i32
      %dma_start3A_218 = tpu.memref_slice %arg8[%dma_start3A_216, %dma_start3A_217] : memref<128x128xf32, #tpu.memory_space<vmem>> -> memref<64x128xf32, #tpu.memory_space<vmem>>
      %dma_start3A_219 = arith.constant 0 : i32
      %dma_start3A_220 = tpu.memref_slice %arg6[%add3A_215, %dma_start3A_219] : memref<79x128xi32, #tpu.memory_space<vmem>> -> memref<1x64xi32, #tpu.memory_space<vmem>>
      %dma_start3A_221 = tpu.memref_squeeze %dma_start3A_220 : memref<1x64xi32, #tpu.memory_space<vmem>> -> memref<64xi32, #tpu.memory_space<vmem>>
      %dma_start3A_222 = arith.constant 0 : i32
      %dma_start3A_223 = arith.constant 0 : i32
      %dma_start3A_224 = tpu.memref_slice %arg2[%dma_start3A_222, %dma_start3A_223] : memref<10240x128xf32, #tpu.memory_space<hbm>> -> memref<10240x128xf32, #tpu.memory_space<hbm>>
      tpu.enqueue_indirect_dma source(%dma_start3A_224 : memref<10240x128xf32, #tpu.memory_space<hbm>>) target(%dma_start3A_218 : memref<64x128xf32, #tpu.memory_space<vmem>>) offsets(%dma_start3A_221 : memref<64xi32, #tpu.memory_space<vmem>>) semaphore(%arg11 : memref<!tpu.dma_semaphore, #tpu.memory_space<semaphore_mem>>)
      %add3A_225 = arith.constant 2 : i32
      %add3A_226 = arith.addi %mul3A_133, %add3A_225 : i32
      %dma_start3A_227 = arith.constant 64 : i32
      %dma_start3A_228 = arith.constant 0 : i32
      %dma_start3A_229 = tpu.memref_slice %arg8[%dma_start3A_227, %dma_start3A_228] : memref<128x128xf32, #tpu.memory_space<vmem>> -> memref<64x128xf32, #tpu.memory_space<vmem>>
      %dma_start3A_230 = arith.constant 64 : i32
      %dma_start3A_231 = tpu.memref_slice %arg6[%add3A_226, %dma_start3A_230] : memref<79x128xi32, #tpu.memory_space<vmem>> -> memref<1x64xi32, #tpu.memory_space<vmem>>
      %dma_start3A_232 = tpu.memref_squeeze %dma_start3A_231 : memref<1x64xi32, #tpu.memory_space<vmem>> -> memref<64xi32, #tpu.memory_space<vmem>>
      %dma_start3A_233 = arith.constant 0 : i32
      %dma_start3A_234 = arith.constant 0 : i32
      %dma_start3A_235 = tpu.memref_slice %arg2[%dma_start3A_233, %dma_start3A_234] : memref<10240x128xf32, #tpu.memory_space<hbm>> -> memref<10240x128xf32, #tpu.memory_space<hbm>>
      tpu.enqueue_indirect_dma source(%dma_start3A_235 : memref<10240x128xf32, #tpu.memory_space<hbm>>) target(%dma_start3A_229 : memref<64x128xf32, #tpu.memory_space<vmem>>) offsets(%dma_start3A_232 : memref<64xi32, #tpu.memory_space<vmem>>) semaphore(%arg11 : memref<!tpu.dma_semaphore, #tpu.memory_space<semaphore_mem>>)
      %add3A_236 = arith.constant 1 : i32
      %add3A_237 = arith.addi %mul3A_133, %add3A_236 : i32
      %dma_wait3A_238 = arith.constant 1 : i32
      %dma_wait3A_239 = arith.constant 0 : i32
      %dma_wait3A_240 = tpu.memref_slice %arg7[%dma_wait3A_238, %dma_wait3A_239] : memref<2x128xi32, #tpu.memory_space<vmem>> -> memref<1x128xi32, #tpu.memory_space<vmem>>
      %dma_wait3A_241 = tpu.memref_squeeze %dma_wait3A_240 : memref<1x128xi32, #tpu.memory_space<vmem>> -> memref<128xi32, #tpu.memory_space<vmem>>
      %dma_wait3A_242 = arith.constant 0 : i32
      %dma_wait3A_243 = arith.constant 0 : i32
      %dma_wait3A_244 = tpu.memref_slice %arg4[%add3A, %dma_wait3A_242, %dma_wait3A_243] : memref<32x80x128xi32, #tpu.memory_space<hbm>> -> memref<1x80x128xi32, #tpu.memory_space<hbm>>
      %dma_wait3A_245 = tpu.memref_squeeze %dma_wait3A_244 : memref<1x80x128xi32, #tpu.memory_space<hbm>> -> memref<80x128xi32, #tpu.memory_space<hbm>>
      %dma_wait3A_246 = arith.constant 0 : i32
      %dma_wait3A_247 = tpu.memref_slice %dma_wait3A_245[%add3A_237, %dma_wait3A_246] : memref<80x128xi32, #tpu.memory_space<hbm>> -> memref<1x128xi32, #tpu.memory_space<hbm>>
      %dma_wait3A_248 = tpu.memref_squeeze %dma_wait3A_247 : memref<1x128xi32, #tpu.memory_space<hbm>> -> memref<128xi32, #tpu.memory_space<hbm>>
      %dma_wait3A_249 = arith.constant 0 : i32
      %dma_wait3A_250 = tpu.memref_slice %arg7[%dma_wait3A_238, %dma_wait3A_249] : memref<2x128xi32, #tpu.memory_space<vmem>> -> memref<1x128xi32, #tpu.memory_space<vmem>>
      %dma_wait3A_251 = tpu.memref_squeeze %dma_wait3A_250 : memref<1x128xi32, #tpu.memory_space<vmem>> -> memref<128xi32, #tpu.memory_space<vmem>>
      %dma_wait3A_252 = arith.constant 0 : i32
      %dma_wait3A_253 = arith.constant 0 : i32
      %dma_wait3A_254 = tpu.memref_slice %arg4[%add3A, %dma_wait3A_252, %dma_wait3A_253] : memref<32x80x128xi32, #tpu.memory_space<hbm>> -> memref<1x80x128xi32, #tpu.memory_space<hbm>>
      %dma_wait3A_255 = tpu.memref_squeeze %dma_wait3A_254 : memref<1x80x128xi32, #tpu.memory_space<hbm>> -> memref<80x128xi32, #tpu.memory_space<hbm>>
      %dma_wait3A_256 = arith.constant 0 : i32
      %dma_wait3A_257 = tpu.memref_slice %dma_wait3A_255[%add3A_237, %dma_wait3A_256] : memref<80x128xi32, #tpu.memory_space<hbm>> -> memref<1x128xi32, #tpu.memory_space<hbm>>
      %dma_wait3A_258 = tpu.memref_squeeze %dma_wait3A_257 : memref<1x128xi32, #tpu.memory_space<hbm>> -> memref<128xi32, #tpu.memory_space<hbm>>
      tpu.wait_dma2 semaphore(%arg14 : memref<!tpu.dma_semaphore, #tpu.memory_space<semaphore_mem>>) src(%dma_wait3A_258 : memref<128xi32, #tpu.memory_space<hbm>>) dst(%dma_wait3A_251 : memref<128xi32, #tpu.memory_space<vmem>>)
      %add3A_259 = arith.constant 3 : i32
      %add3A_260 = arith.addi %mul3A_133, %add3A_259 : i32
      %dma_start3A_261 = arith.constant 1 : i32
      %dma_start3A_262 = arith.constant 0 : i32
      %dma_start3A_263 = tpu.memref_slice %arg7[%dma_start3A_261, %dma_start3A_262] : memref<2x128xi32, #tpu.memory_space<vmem>> -> memref<1x128xi32, #tpu.memory_space<vmem>>
      %dma_start3A_264 = tpu.memref_squeeze %dma_start3A_263 : memref<1x128xi32, #tpu.memory_space<vmem>> -> memref<128xi32, #tpu.memory_space<vmem>>
      %dma_start3A_265 = arith.constant 0 : i32
      %dma_start3A_266 = arith.constant 0 : i32
      %dma_start3A_267 = tpu.memref_slice %arg4[%add3A, %dma_start3A_265, %dma_start3A_266] : memref<32x80x128xi32, #tpu.memory_space<hbm>> -> memref<1x80x128xi32, #tpu.memory_space<hbm>>
      %dma_start3A_268 = tpu.memref_squeeze %dma_start3A_267 : memref<1x80x128xi32, #tpu.memory_space<hbm>> -> memref<80x128xi32, #tpu.memory_space<hbm>>
      %dma_start3A_269 = arith.constant 0 : i32
      %dma_start3A_270 = tpu.memref_slice %dma_start3A_268[%add3A_260, %dma_start3A_269] : memref<80x128xi32, #tpu.memory_space<hbm>> -> memref<1x128xi32, #tpu.memory_space<hbm>>
      %dma_start3A_271 = tpu.memref_squeeze %dma_start3A_270 : memref<1x128xi32, #tpu.memory_space<hbm>> -> memref<128xi32, #tpu.memory_space<hbm>>
      %dma_start3A_272 = arith.constant 0 : i32
      %dma_start3A_273 = tpu.memref_slice %arg7[%dma_start3A_261, %dma_start3A_272] : memref<2x128xi32, #tpu.memory_space<vmem>> -> memref<1x128xi32, #tpu.memory_space<vmem>>
      %dma_start3A_274 = tpu.memref_squeeze %dma_start3A_273 : memref<1x128xi32, #tpu.memory_space<vmem>> -> memref<128xi32, #tpu.memory_space<vmem>>
      %dma_start3A_275 = arith.constant 0 : i32
      %dma_start3A_276 = arith.constant 0 : i32
      %dma_start3A_277 = tpu.memref_slice %arg4[%add3A, %dma_start3A_275, %dma_start3A_276] : memref<32x80x128xi32, #tpu.memory_space<hbm>> -> memref<1x80x128xi32, #tpu.memory_space<hbm>>
      %dma_start3A_278 = tpu.memref_squeeze %dma_start3A_277 : memref<1x80x128xi32, #tpu.memory_space<hbm>> -> memref<80x128xi32, #tpu.memory_space<hbm>>
      %dma_start3A_279 = arith.constant 0 : i32
      %dma_start3A_280 = tpu.memref_slice %dma_start3A_278[%add3A_260, %dma_start3A_279] : memref<80x128xi32, #tpu.memory_space<hbm>> -> memref<1x128xi32, #tpu.memory_space<hbm>>
      %dma_start3A_281 = tpu.memref_squeeze %dma_start3A_280 : memref<1x128xi32, #tpu.memory_space<hbm>> -> memref<128xi32, #tpu.memory_space<hbm>>
      tpu.enqueue_dma source(%dma_start3A_281 : memref<128xi32, #tpu.memory_space<hbm>>) target(%dma_start3A_274 : memref<128xi32, #tpu.memory_space<vmem>>) target_semaphore(%arg14 : memref<!tpu.dma_semaphore, #tpu.memory_space<semaphore_mem>>)
    }
    %scan3A_72 = arith.constant 39 : i32
    %dma_wait3A = arith.constant 78 : i32
    %dma_wait3A_73 = arith.constant 0 : i32
    %dma_wait3A_74 = tpu.memref_slice %arg6[%dma_wait3A, %dma_wait3A_73] : memref<79x128xi32, #tpu.memory_space<vmem>> -> memref<1x128xi32, #tpu.memory_space<vmem>>
    %dma_wait3A_75 = tpu.memref_squeeze %dma_wait3A_74 : memref<1x128xi32, #tpu.memory_space<vmem>> -> memref<128xi32, #tpu.memory_space<vmem>>
    %dma_wait3A_76 = arith.constant 0 : i32
    %dma_wait3A_77 = arith.constant 0 : i32
    %dma_wait3A_78 = tpu.memref_slice %arg2[%dma_wait3A_76, %dma_wait3A_77] : memref<10240x128xf32, #tpu.memory_space<hbm>> -> memref<10240x128xf32, #tpu.memory_space<hbm>>
    tpu.wait_indirect_dma semaphore(%arg11 : memref<!tpu.dma_semaphore, #tpu.memory_space<semaphore_mem>>) src(%dma_wait3A_78 : memref<10240x128xf32, #tpu.memory_space<hbm>>) dst(%arg8 : memref<128x128xf32, #tpu.memory_space<vmem>>)
    %dma_wait3A_79 = arith.constant 78 : i32
    %dma_wait3A_80 = arith.constant 0 : i32
    %dma_wait3A_81 = arith.constant 0 : i32
    %dma_wait3A_82 = tpu.memref_slice %arg7[%dma_wait3A_80, %dma_wait3A_81] : memref<2x128xi32, #tpu.memory_space<vmem>> -> memref<1x128xi32, #tpu.memory_space<vmem>>
    %dma_wait3A_83 = tpu.memref_squeeze %dma_wait3A_82 : memref<1x128xi32, #tpu.memory_space<vmem>> -> memref<128xi32, #tpu.memory_space<vmem>>
    %dma_wait3A_84 = arith.constant 0 : i32
    %dma_wait3A_85 = arith.constant 0 : i32
    %dma_wait3A_86 = tpu.memref_slice %arg4[%add3A, %dma_wait3A_84, %dma_wait3A_85] : memref<32x80x128xi32, #tpu.memory_space<hbm>> -> memref<1x80x128xi32, #tpu.memory_space<hbm>>
    %dma_wait3A_87 = tpu.memref_squeeze %dma_wait3A_86 : memref<1x80x128xi32, #tpu.memory_space<hbm>> -> memref<80x128xi32, #tpu.memory_space<hbm>>
    %dma_wait3A_88 = arith.constant 0 : i32
    %dma_wait3A_89 = tpu.memref_slice %dma_wait3A_87[%dma_wait3A_79, %dma_wait3A_88] : memref<80x128xi32, #tpu.memory_space<hbm>> -> memref<1x128xi32, #tpu.memory_space<hbm>>
    %dma_wait3A_90 = tpu.memref_squeeze %dma_wait3A_89 : memref<1x128xi32, #tpu.memory_space<hbm>> -> memref<128xi32, #tpu.memory_space<hbm>>
    %dma_wait3A_91 = arith.constant 0 : i32
    %dma_wait3A_92 = tpu.memref_slice %arg7[%dma_wait3A_80, %dma_wait3A_91] : memref<2x128xi32, #tpu.memory_space<vmem>> -> memref<1x128xi32, #tpu.memory_space<vmem>>
    %dma_wait3A_93 = tpu.memref_squeeze %dma_wait3A_92 : memref<1x128xi32, #tpu.memory_space<vmem>> -> memref<128xi32, #tpu.memory_space<vmem>>
    %dma_wait3A_94 = arith.constant 0 : i32
    %dma_wait3A_95 = arith.constant 0 : i32
    %dma_wait3A_96 = tpu.memref_slice %arg4[%add3A, %dma_wait3A_94, %dma_wait3A_95] : memref<32x80x128xi32, #tpu.memory_space<hbm>> -> memref<1x80x128xi32, #tpu.memory_space<hbm>>
    %dma_wait3A_97 = tpu.memref_squeeze %dma_wait3A_96 : memref<1x80x128xi32, #tpu.memory_space<hbm>> -> memref<80x128xi32, #tpu.memory_space<hbm>>
    %dma_wait3A_98 = arith.constant 0 : i32
    %dma_wait3A_99 = tpu.memref_slice %dma_wait3A_97[%dma_wait3A_79, %dma_wait3A_98] : memref<80x128xi32, #tpu.memory_space<hbm>> -> memref<1x128xi32, #tpu.memory_space<hbm>>
    %dma_wait3A_100 = tpu.memref_squeeze %dma_wait3A_99 : memref<1x128xi32, #tpu.memory_space<hbm>> -> memref<128xi32, #tpu.memory_space<hbm>>
    tpu.wait_dma2 semaphore(%arg13 : memref<!tpu.dma_semaphore, #tpu.memory_space<semaphore_mem>>) src(%dma_wait3A_100 : memref<128xi32, #tpu.memory_space<hbm>>) dst(%dma_wait3A_93 : memref<128xi32, #tpu.memory_space<vmem>>)
    %dma_wait3A_101 = arith.constant 79 : i32
    %dma_wait3A_102 = arith.constant 1 : i32
    %dma_wait3A_103 = arith.constant 0 : i32
    %dma_wait3A_104 = tpu.memref_slice %arg7[%dma_wait3A_102, %dma_wait3A_103] : memref<2x128xi32, #tpu.memory_space<vmem>> -> memref<1x128xi32, #tpu.memory_space<vmem>>
    %dma_wait3A_105 = tpu.memref_squeeze %dma_wait3A_104 : memref<1x128xi32, #tpu.memory_space<vmem>> -> memref<128xi32, #tpu.memory_space<vmem>>
    %dma_wait3A_106 = arith.constant 0 : i32
    %dma_wait3A_107 = arith.constant 0 : i32
    %dma_wait3A_108 = tpu.memref_slice %arg4[%add3A, %dma_wait3A_106, %dma_wait3A_107] : memref<32x80x128xi32, #tpu.memory_space<hbm>> -> memref<1x80x128xi32, #tpu.memory_space<hbm>>
    %dma_wait3A_109 = tpu.memref_squeeze %dma_wait3A_108 : memref<1x80x128xi32, #tpu.memory_space<hbm>> -> memref<80x128xi32, #tpu.memory_space<hbm>>
    %dma_wait3A_110 = arith.constant 0 : i32
    %dma_wait3A_111 = tpu.memref_slice %dma_wait3A_109[%dma_wait3A_101, %dma_wait3A_110] : memref<80x128xi32, #tpu.memory_space<hbm>> -> memref<1x128xi32, #tpu.memory_space<hbm>>
    %dma_wait3A_112 = tpu.memref_squeeze %dma_wait3A_111 : memref<1x128xi32, #tpu.memory_space<hbm>> -> memref<128xi32, #tpu.memory_space<hbm>>
    %dma_wait3A_113 = arith.constant 0 : i32
    %dma_wait3A_114 = tpu.memref_slice %arg7[%dma_wait3A_102, %dma_wait3A_113] : memref<2x128xi32, #tpu.memory_space<vmem>> -> memref<1x128xi32, #tpu.memory_space<vmem>>
    %dma_wait3A_115 = tpu.memref_squeeze %dma_wait3A_114 : memref<1x128xi32, #tpu.memory_space<vmem>> -> memref<128xi32, #tpu.memory_space<vmem>>
    %dma_wait3A_116 = arith.constant 0 : i32
    %dma_wait3A_117 = arith.constant 0 : i32
    %dma_wait3A_118 = tpu.memref_slice %arg4[%add3A, %dma_wait3A_116, %dma_wait3A_117] : memref<32x80x128xi32, #tpu.memory_space<hbm>> -> memref<1x80x128xi32, #tpu.memory_space<hbm>>
    %dma_wait3A_119 = tpu.memref_squeeze %dma_wait3A_118 : memref<1x80x128xi32, #tpu.memory_space<hbm>> -> memref<80x128xi32, #tpu.memory_space<hbm>>
    %dma_wait3A_120 = arith.constant 0 : i32
    %dma_wait3A_121 = tpu.memref_slice %dma_wait3A_119[%dma_wait3A_101, %dma_wait3A_120] : memref<80x128xi32, #tpu.memory_space<hbm>> -> memref<1x128xi32, #tpu.memory_space<hbm>>
    %dma_wait3A_122 = tpu.memref_squeeze %dma_wait3A_121 : memref<1x128xi32, #tpu.memory_space<hbm>> -> memref<128xi32, #tpu.memory_space<hbm>>
    tpu.wait_dma2 semaphore(%arg14 : memref<!tpu.dma_semaphore, #tpu.memory_space<semaphore_mem>>) src(%dma_wait3A_122 : memref<128xi32, #tpu.memory_space<hbm>>) dst(%dma_wait3A_115 : memref<128xi32, #tpu.memory_space<vmem>>)
    %barrier3A_123 = arith.constant 0 : index
    tpu.barrier barrier_id(%barrier3A_123)
    %mul3A_124 = arith.constant 640 : i32
    %mul3A_125 = arith.muli %arg1, %mul3A_124 : i32
    %mul3A_126 = arith.constant 10240 : i32
    %mul3A_127 = arith.muli %arg0, %mul3A_126 : i32
    %mul3A_128 = arith.constant 640 : i32
    %mul3A_129 = arith.muli %arg1, %mul3A_128 : i32
    %add3A_130 = arith.addi %mul3A_127, %mul3A_129 : i32
    "tpu.region"() ({
      %run_scoped3A = tpu.sem_alloc : memref<!tpu.dma_semaphore, #tpu.memory_space<semaphore_mem>>
      %dma_start3A_131 = arith.constant 0 : i32
      %dma_start3A_132 = tpu.memref_slice %arg5[%add3A_130, %dma_start3A_131] : memref<20480x128xf32, #tpu.memory_space<hbm>> -> memref<640x128xf32, #tpu.memory_space<hbm>>
      %dma_start3A_133 = arith.constant 0 : i32
      %dma_start3A_134 = tpu.memref_slice %arg10[%mul3A_125, %dma_start3A_133] : memref<10240x128xf32, #tpu.memory_space<vmem_shared>> -> memref<640x128xf32, #tpu.memory_space<vmem_shared>>
      tpu.enqueue_dma source(%dma_start3A_134 : memref<640x128xf32, #tpu.memory_space<vmem_shared>>) target(%dma_start3A_132 : memref<640x128xf32, #tpu.memory_space<hbm>>) target_semaphore(%run_scoped3A : memref<!tpu.dma_semaphore, #tpu.memory_space<semaphore_mem>>)
      %dma_wait3A_135 = arith.constant 0 : i32
      %dma_wait3A_136 = tpu.memref_slice %arg5[%add3A_130, %dma_wait3A_135] : memref<20480x128xf32, #tpu.memory_space<hbm>> -> memref<640x128xf32, #tpu.memory_space<hbm>>
      %dma_wait3A_137 = arith.constant 0 : i32
      %dma_wait3A_138 = tpu.memref_slice %arg10[%mul3A_125, %dma_wait3A_137] : memref<10240x128xf32, #tpu.memory_space<vmem_shared>> -> memref<640x128xf32, #tpu.memory_space<vmem_shared>>
      tpu.wait_dma2 semaphore(%run_scoped3A : memref<!tpu.dma_semaphore, #tpu.memory_space<semaphore_mem>>) src(%dma_wait3A_138 : memref<640x128xf32, #tpu.memory_space<vmem_shared>>) dst(%dma_wait3A_136 : memref<640x128xf32, #tpu.memory_space<hbm>>)
      tpu.yield
    }) : () -> ()
    return
  }
}

module attributes {stable_mosaic.version = 14 : i64} {
  func.func @_pre_kernel(%arg0: i32, %arg1: memref<512x128xf32, #tpu.memory_space<vmem>>, %arg2: memref<128x128xf32, #tpu.memory_space<vmem>>, %arg3: memref<1x128xf32, #tpu.memory_space<vmem>>, %arg4: memref<32x512xf32, #tpu.memory_space<vmem>>, %arg5: memref<512x128xf32, #tpu.memory_space<vmem>>, %arg6: memref<512x1xf32, #tpu.memory_space<vmem>>) attributes {dimension_semantics = [#tpu.dimension_semantics<arbitrary>], iteration_bounds = array<i64: 20>, scalar_prefetch = 0 : i64, scratch_operands = 0 : i64, tpu.core_type = #tpu.core_type<tc>, window_params = [{transform_indices = @transform_0, window_bounds = array<i64: 512, 128>}, {pipeline_mode = #tpu.pipeline_mode<synchronous>, transform_indices = @transform_1, window_bounds = array<i64: 128, 128>}, {pipeline_mode = #tpu.pipeline_mode<synchronous>, transform_indices = @transform_2, window_bounds = array<i64: 1, 128>}, {transform_indices = @transform_3, window_bounds = array<i64: 32, 512>}, {transform_indices = @transform_4, window_bounds = array<i64: 512, 128>}, {transform_indices = @transform_5, window_bounds = array<i64: 512, 1>}]} {
    %get3A = arith.constant 0 : index
    %get3A_0 = arith.constant 0 : index
    %get3A_1 = vector.load %arg1[%get3A, %get3A_0] : memref<512x128xf32, #tpu.memory_space<vmem>>, vector<512x128xf32>
    %get3A_2 = arith.constant 0 : index
    %get3A_3 = arith.constant 0 : index
    %get3A_4 = vector.load %arg2[%get3A_2, %get3A_3] : memref<128x128xf32, #tpu.memory_space<vmem>>, vector<128x128xf32>
    %dot_general3A = arith.constant dense<0.000000e+00> : vector<512x128xf32>
    %dot_general3A_5 = tpu.matmul %get3A_1, %get3A_4, %dot_general3A {dimension_numbers = #tpu.dot_dimension_numbers<[1], [1], [0], [0], [0, 0, 1, 0], [], []>, transpose_lhs_hint = false} : vector<512x128xf32>, vector<128x128xf32>, vector<512x128xf32> -> vector<512x128xf32>
    %get3A_6 = arith.constant 0 : index
    %get3A_7 = arith.constant 0 : index
    %get3A_8 = vector.load %arg3[%get3A_6, %get3A_7] : memref<1x128xf32, #tpu.memory_space<vmem>>, vector<1x128xf32>
    %add3A = vector.broadcast %get3A_8 : vector<1x128xf32> to vector<512x128xf32>
    %add3A_9 = arith.addf %dot_general3A_5, %add3A : vector<512x128xf32>
    %get3A_10 = arith.constant 0 : index
    %get3A_11 = arith.constant 0 : index
    %get3A_12 = vector.load %arg4[%get3A_10, %get3A_11] : memref<32x512xf32, #tpu.memory_space<vmem>>, vector<32x512xf32>
    %reduce_sum3A = arith.constant dense<0.000000e+00> : vector<512xf32>
    %reduce_sum3A_13 = vector.multi_reduction <add>, %get3A_12, %reduce_sum3A [0] : vector<32x512xf32> to vector<512xf32>
    %add3A_14 = arith.constant 1.000000e+00 : f32
    %add3A_15 = vector.broadcast %add3A_14 : f32 to vector<512xf32>
    %add3A_16 = arith.addf %reduce_sum3A_13, %add3A_15 : vector<512xf32>
    %rsqrt3A = math.rsqrt %add3A_16 : vector<512xf32>
    %broadcast_in_dim3A = vector.shape_cast %rsqrt3A : vector<512xf32> to vector<512x1xf32>
    %mul3A = vector.broadcast %broadcast_in_dim3A : vector<512x1xf32> to vector<512x128xf32>
    %mul3A_17 = arith.mulf %add3A_9, %mul3A : vector<512x128xf32>
    %swap3A = arith.constant 0 : index
    %swap3A_18 = arith.constant 0 : index
    %swap3A_19 = vector.load %arg5[%swap3A, %swap3A_18] : memref<512x128xf32, #tpu.memory_space<vmem>>, vector<512x128xf32>
    tpu.vector_store %arg5[%swap3A, %swap3A_18], %mul3A_17 {strides = array<i32>} : memref<512x128xf32, #tpu.memory_space<vmem>>, vector<512x128xf32>,
    %broadcast_in_dim3A_20 = vector.shape_cast %rsqrt3A : vector<512xf32> to vector<512x1xf32>
    %swap3A_21 = arith.constant 0 : index
    %swap3A_22 = arith.constant 0 : index
    %swap3A_23 = vector.load %arg6[%swap3A_21, %swap3A_22] : memref<512x1xf32, #tpu.memory_space<vmem>>, vector<512x1xf32>
    tpu.vector_store %arg6[%swap3A_21, %swap3A_22], %broadcast_in_dim3A_20 {strides = array<i32>} : memref<512x1xf32, #tpu.memory_space<vmem>>, vector<512x1xf32>,
    return
  }
  func.func @transform_0(%arg0: i32) -> (i32, i32) {
    %c0_i32 = arith.constant 0 : i32
    %c0_i32_0 = arith.constant 0 : i32
    return %arg0, %c0_i32 : i32, i32
  }
  func.func @transform_1(%arg0: i32) -> (i32, i32) {
    %c0_i32 = arith.constant 0 : i32
    %c0_i32_0 = arith.constant 0 : i32
    %c0_i32_1 = arith.constant 0 : i32
    return %c0_i32, %c0_i32_0 : i32, i32
  }
  func.func @transform_2(%arg0: i32) -> (i32, i32) {
    %c0_i32 = arith.constant 0 : i32
    %c0_i32_0 = arith.constant 0 : i32
    %c0_i32_1 = arith.constant 0 : i32
    return %c0_i32, %c0_i32_0 : i32, i32
  }
  func.func @transform_3(%arg0: i32) -> (i32, i32) {
    %c0_i32 = arith.constant 0 : i32
    %c0_i32_0 = arith.constant 0 : i32
    return %c0_i32, %arg0 : i32, i32
  }
  func.func @transform_4(%arg0: i32) -> (i32, i32) {
    %c0_i32 = arith.constant 0 : i32
    %c0_i32_0 = arith.constant 0 : i32
    return %arg0, %c0_i32 : i32, i32
  }
  func.func @transform_5(%arg0: i32) -> (i32, i32) {
    %c0_i32 = arith.constant 0 : i32
    %c0_i32_0 = arith.constant 0 : i32
    return %arg0, %c0_i32 : i32, i32
  }
}

module attributes {stable_mosaic.version = 14 : i64} {
  func.func @_post_kernel(%arg0: i32, %arg1: memref<2x512x128xf32, #tpu.memory_space<vmem>>, %arg2: memref<512x128xf32, #tpu.memory_space<vmem>>, %arg3: memref<512x1xf32, #tpu.memory_space<vmem>>, %arg4: memref<512x128xf32, #tpu.memory_space<vmem>>) attributes {dimension_semantics = [#tpu.dimension_semantics<arbitrary>], iteration_bounds = array<i64: 20>, scalar_prefetch = 0 : i64, scratch_operands = 0 : i64, tpu.core_type = #tpu.core_type<tc>, window_params = [{transform_indices = @transform_0, window_bounds = array<i64: 2, 512, 128>}, {transform_indices = @transform_1, window_bounds = array<i64: 512, 128>}, {transform_indices = @transform_2, window_bounds = array<i64: 512, 1>}, {transform_indices = @transform_3, window_bounds = array<i64: 512, 128>}]} {
    %get3A = arith.constant 0 : index
    %get3A_0 = arith.constant 0 : index
    %get3A_1 = arith.constant 0 : index
    %get3A_2 = vector.load %arg1[%get3A, %get3A_0, %get3A_1] : memref<2x512x128xf32, #tpu.memory_space<vmem>>, vector<1x512x128xf32>
    %get3A_3 = vector.shape_cast %get3A_2 : vector<1x512x128xf32> to vector<512x128xf32>
    %get3A_4 = arith.constant 1 : index
    %get3A_5 = arith.constant 0 : index
    %get3A_6 = arith.constant 0 : index
    %get3A_7 = vector.load %arg1[%get3A_4, %get3A_5, %get3A_6] : memref<2x512x128xf32, #tpu.memory_space<vmem>>, vector<1x512x128xf32>
    %get3A_8 = vector.shape_cast %get3A_7 : vector<1x512x128xf32> to vector<512x128xf32>
    %add3A = arith.addf %get3A_3, %get3A_8 : vector<512x128xf32>
    %get3A_9 = arith.constant 0 : index
    %get3A_10 = arith.constant 0 : index
    %get3A_11 = vector.load %arg2[%get3A_9, %get3A_10] : memref<512x128xf32, #tpu.memory_space<vmem>>, vector<512x128xf32>
    %sub3A = arith.subf %add3A, %get3A_11 : vector<512x128xf32>
    %get3A_12 = arith.constant 0 : index
    %get3A_13 = arith.constant 0 : index
    %get3A_14 = vector.load %arg3[%get3A_12, %get3A_13] : memref<512x1xf32, #tpu.memory_space<vmem>>, vector<512x1xf32>
    %mul3A = vector.broadcast %get3A_14 : vector<512x1xf32> to vector<512x128xf32>
    %mul3A_15 = arith.mulf %sub3A, %mul3A : vector<512x128xf32>
    %swap3A = arith.constant 0 : index
    %swap3A_16 = arith.constant 0 : index
    %swap3A_17 = vector.load %arg4[%swap3A, %swap3A_16] : memref<512x128xf32, #tpu.memory_space<vmem>>, vector<512x128xf32>
    tpu.vector_store %arg4[%swap3A, %swap3A_16], %mul3A_15 {strides = array<i32>} : memref<512x128xf32, #tpu.memory_space<vmem>>, vector<512x128xf32>,
    return
  }
  func.func @transform_0(%arg0: i32) -> (i32, i32, i32) {
    %c0_i32 = arith.constant 0 : i32
    %c0_i32_0 = arith.constant 0 : i32
    %c0_i32_1 = arith.constant 0 : i32
    return %c0_i32, %arg0, %c0_i32_0 : i32, i32, i32
  }
  func.func @transform_1(%arg0: i32) -> (i32, i32) {
    %c0_i32 = arith.constant 0 : i32
    %c0_i32_0 = arith.constant 0 : i32
    return %arg0, %c0_i32 : i32, i32
  }
  func.func @transform_2(%arg0: i32) -> (i32, i32) {
    %c0_i32 = arith.constant 0 : i32
    %c0_i32_0 = arith.constant 0 : i32
    return %arg0, %c0_i32 : i32, i32
  }
  func.func @transform_3(%arg0: i32) -> (i32, i32) {
    %c0_i32 = arith.constant 0 : i32
    %c0_i32_0 = arith.constant 0 : i32
    return %arg0, %c0_i32 : i32, i32
  }
}

</mosaic_0001>

<sc_bundles>
// kernel: kernel.6.cloned.1.call-start
scs
__scs_entry_jumppad:
0x0: {  	(pc) =	sbr.rel $0x88, $3  }
0x1: {  	(tag) =	ssettag $0x0;
	lr =	simm.s32 $0x1  }
0x2: {  	[smem:$0x3F9D] =	sst lr;
	_ =	strace $0xD0000000  }
0x3: {  	_ = 	snop  }
0x4: {  	_ = 	snop  }
0x5: {  	_ = 	snop  }
0x6: {  	_ = 	snop  }
0x7: {  	_ = 	snop  }
__scs_overlays_trampoline_lowered:
0x8: {  	[smem:$0x3FAC] =	sst s0  }
0x9: {  	[smem:$0x3FAD] =	sst s1  }
0xa: {  	[smem:$0x3FAE] =	sst s2  }
0xb: {  	[smem:$0x3FAF] =	sst s3  }
0xc: {  	[smem:$0x3FB0] =	sst s4  }
0xd: {  	[smem:$0x3FB1] =	sst s5  }
0xe: {  	[smem:$0x3FB2] =	sst s6  }
0xf: {  	[smem:$0x3FB3] =	sst s7  }
0x10: {  	[smem:$0x3FB4] =	sst s8  }
0x11: {  	[smem:$0x3FB5] =	sst s9;
	s0 =	simm.s32 @!p0 $0x0  }
0x12: {  	s1 =	sld [smem:$0x3F9B];
	s0 =	simm.s32 @p0 $0x1  }
0x13: {  	[smem:$0x3FB6] =	sst s0;
	s0 =	simm.s32 @!p1 $0x0  }
0x14: {  	s2 =	sld [smem:$0x3F9A];
	s0 =	simm.s32 @p1 $0x1  }
0x15: {  	[smem:$0x3FB7] =	sst s0;
	s0 =	simm.s32 @!p2 $0x0  }
0x16: {  	s3 =	sld [smem:$0x3FDB];
	s0 =	simm.s32 @p2 $0x1  }
0x17: {  	s4 =	simm.s32 $0x1BF5;
	[smem:$0x3FB9] =	sst s0  }
0x18: {  	s0 =	sld [smem:$0x3F9C];
	_ =	swait.ge [sflag:s4], $0x0  }
0x19: {  	s7 =	sld [smem:$0x3F9D]  }
0x1a: {  	s8 =	sadd.s32 $0xFFFFE003, lr  }
0x1b: {  	s9 =	sadd.s32 $0xFFFFFEF7, lr;
	s5 =	simm.s32 $0xFFFFFFFF;
	p2 =	slt.u32 s8, $0xFFFFF086  }
0x1c: {  	p1 =	slt.u32 s9, $0xF7A;
	s5 =	simm.s32 @!p2 $0x0  }
0x1d: {  	s5 =	simm.s32 @p1 $0x1;
	p0 =	seq.s32 s7, s2  }
0x1e: {  	s7 =	smul.u32 @!p0 $0xF7A, s2;
	p2 =	seq.s32 @!p0 s5, $0x0  }
0x1f: {  	s9 =	smul.u32 $0xF7A, s1;
	s8 =	simm.s32 @!p0 $0x1BF5;
	p2 =	por !p2, p0  }
0x20: {  	[sflag:s8] =	ssyncset.s32 @!p0 $0xFFFFF086;
	s6 =	sadd.s32 @!p0 s3, s7;
	s7 =	simm.s32 @!p0 $0x108  }
0x21: {  	s3 =	sadd.s32 s3, s9;
	s6 =	sadd.s32 @!p0 $0x88, s6;
	s7 =	simm.s32 @p2 $0x1082  }
0x22: {  	[simem:s7], [sflag:s8] =	dma.local @!p0 [hbm:s6], $0xF7A  }
0x23: {  	s9 =	sor.u32 $0xD0000000, s2;
	s6 =	simm.s32 $0x108;
	_ =	swait.ge @!p0 [sflag:s8], $0x0  }
0x24: {  	s3 =	sadd.s32 $0x88, s3;
	s6 =	simm.s32 @!p1 $0x1082;
	[sflag:s4] =	ssyncset.s32 $0xFFFFF086  }
0x25: {  	[simem:s6], [sflag:s4] =	dma.local [hbm:s3], $0xF7A  }
0x26: {  	[smem:$0x3F9D] =	sst s1;
	(tag) =	ssettag s2;
	_ =	strace s9  }
0x27: {  	s1 =	sld [smem:$0x3FAD]  }
0x28: {  	s2 =	sld [smem:$0x3FAE]  }
0x29: {  	s4 =	sld [smem:$0x3FB0]  }
0x2a: {  	p0 =	seq.s32 s5, $0x0;
	s5 =	sld [smem:$0x3FB1]  }
0x2b: {  	s6 =	sld [smem:$0x3FB2]  }
0x2c: {  	s7 =	sld [smem:$0x3FB3]  }
0x2d: {  	s3 =	simm.s32 $0x108;
	s8 =	sld [smem:$0x3FB4]  }
0x2e: {  	s3 =	simm.s32 @!p0 $0x1082;
	s9 =	sld [smem:$0x3FB5]  }
0x2f: {  	lr =	sadd.s32 s0, s3;
	s0 =	sld [smem:$0x3FAC]  }
0x30: {  	s3 =	sld [smem:$0x3FAF]  }
0x31: {  	[smem:$0x3FB8] =	sst s10  }
0x32: {  	s10 =	sld [smem:$0x3FB6];
	_ =	sdelay $0x3  }
0x33: {  	p0 =	seq.s32 s10, $0x1;
	s10 =	sld [smem:$0x3FB8];
	_ =	sdelay $0x3  }
0x34: {  	[smem:$0x3FB8] =	sst s10  }
0x35: {  	s10 =	sld [smem:$0x3FB7];
	_ =	sdelay $0x3  }
0x36: {  	p1 =	seq.s32 s10, $0x1;
	s10 =	sld [smem:$0x3FB8];
	_ =	sdelay $0x3  }
0x37: {  	[smem:$0x3FB8] =	sst s10  }
0x38: {  	s10 =	sld [smem:$0x3FB9]  }
0x39: {  	_ = 	snop;
	(pc) =	sbr.ind lr, $3  }
0x3a: {  	_ = 	snop  }
0x3b: {  	_ = 	snop  }
0x3c: {  	p2 =	seq.s32 s10, $0x1;
	s10 =	sld [smem:$0x3FB8]  }
0x3d: {  	_ =	shalt  }
0x3e: {  	_ =	shalt  }
0x3f: {  	_ =	shalt  }
0x40: {  	_ =	shalt  }
0x41: {  	_ =	shalt  }
0x42: {  	_ =	shalt  }
0x43: {  	_ =	shalt  }
0x44: {  	_ =	shalt  }
0x45: {  	_ =	shalt  }
0x46: {  	_ =	shalt  }
0x47: {  	_ =	shalt  }
0x48: {  	_ =	shalt  }
0x49: {  	_ =	shalt  }
0x4a: {  	_ =	shalt  }
0x4b: {  	_ =	shalt  }
0x4c: {  	_ =	shalt  }
0x4d: {  	_ =	shalt  }
0x4e: {  	_ =	shalt  }
0x4f: {  	_ =	shalt  }
0x50: {  	_ =	shalt  }
0x51: {  	_ =	shalt  }
0x52: {  	_ =	shalt  }
0x53: {  	_ =	shalt  }
0x54: {  	_ =	shalt  }
0x55: {  	_ =	shalt  }
0x56: {  	_ =	shalt  }
0x57: {  	_ =	shalt  }
0x58: {  	_ =	shalt  }
0x59: {  	_ =	shalt  }
0x5a: {  	_ =	shalt  }
0x5b: {  	_ =	shalt  }
0x5c: {  	_ =	shalt  }
0x5d: {  	_ =	shalt  }
0x5e: {  	_ =	shalt  }
0x5f: {  	_ =	shalt  }
0x60: {  	_ =	shalt  }
0x61: {  	_ =	shalt  }
0x62: {  	_ =	shalt  }
0x63: {  	_ =	shalt  }
0x64: {  	_ =	shalt  }
0x65: {  	_ =	shalt  }
0x66: {  	_ =	shalt  }
0x67: {  	_ =	shalt  }
0x68: {  	_ =	shalt  }
0x69: {  	_ =	shalt  }
0x6a: {  	_ =	shalt  }
0x6b: {  	_ =	shalt  }
0x6c: {  	_ =	shalt  }
0x6d: {  	_ =	shalt  }
0x6e: {  	_ =	shalt  }
0x6f: {  	_ =	shalt  }
0x70: {  	_ =	shalt  }
0x71: {  	_ =	shalt  }
0x72: {  	_ =	shalt  }
0x73: {  	_ =	shalt  }
0x74: {  	_ =	shalt  }
0x75: {  	_ =	shalt  }
0x76: {  	_ =	shalt  }
0x77: {  	_ =	shalt  }
0x78: {  	_ =	shalt  }
0x79: {  	_ =	shalt  }
0x7a: {  	_ =	shalt  }
0x7b: {  	_ =	shalt  }
0x7c: {  	_ =	shalt  }
0x7d: {  	_ =	shalt  }
0x7e: {  	_ =	shalt  }
0x7f: {  	_ =	shalt  }
0x80: {  	_ =	shalt  }
0x81: {  	_ =	shalt  }
0x82: {  	_ =	shalt  }
0x83: {  	_ =	shalt  }
0x84: {  	_ =	shalt  }
0x85: {  	_ =	shalt  }
0x86: {  	_ =	shalt  }
0x87: {  	_ =	shalt  }
.Lfunc_end0:
.L_simem_size_0:
called_computation_lowered:
.L_overlay_start_0:
0x88: {  	s2 =	sld [smem:$0x3FD9]  }
0x89: {  	s3 =	sld [smem:$0x3FFE];
	_ =	sdelay $0x1  }
0x8a: {  	s1 =	srdreg.scid  }
0x8b: {  	s0 =	sand.u32 $0x1, s1  }
0x8c: {  	s16 =	sshll.u32 s0, $0xA;
	s2 =	sadd.s32 s3, s2  }
0x8d: {  	s2 =	sadd.s32 s2, s16  }
0x8e: {  	[smem:$0x3FC4] =	sst s2  }
0x8f: {  	_ = 	snop  }
0x90: {  	(tm) =	ssettm $0x1  }
0x91: {  	s17 =	sld [smem:$0x3FFB];
	_ =	sdelay $0x3  }
0x92: {  	_ =	strace s17  }
0x93: {  	s2 =	sld [smem:$0x3FFC];
	_ =	sdelay $0x3  }
0x94: {  	_ =	strace s2  }
0x95: {  	s2 =	sld [smem:$0x3FFD];
	_ =	sdelay $0x3  }
0x96: {  	_ =	strace s2  }
0x97: {  	_ =	strace $0x8FFFFFFF  }
0x98: {  	s18 =	sld [smem:$0x3FDB];
	_ =	sdelay $0x1  }
0x99: {  	s19 =	simm.s32 $_scs_section_size  }
0x9a: {  	s4 =	simm.s32 $_size__tile_overlayer_lowered;
	s5 =	simm.s32 $_tile_overlayer_lowered  }
0x9b: {  	s22 =	simm.s32 $0x1BFF;
	s21 =	sshll.u32 s5, $0x1;
	s2 =	sadd.s32 s19, s18  }
0x9c: {  	s6 =	simm.s32 $0x0;
	s20 =	sshll.u32 s4, $0x1;
	s4 =	sadd.s32 s21, s2  }
0x9d: {  	[timem:s6], [sflag:s22] =	dma.local [hbm:s4], s20  }
0x9e: {  	_ =	swait.ge [sflag:s22], s20  }
0x9f: {  	s3 =	ssub.s32 $0x0, s20;
	[sflag:s22] =	ssyncset.done $0x0  }
0xa0: {  	[sflag:s22] =	ssyncadd.s32 s3;
	_ =	sdelay $0x1  }
0xa1: {  	s23 =	simm.s32 $0x1B8B  }
0xa2: {  	_ =	swait.ge [sflag:s23], $0x1  }
0xa3: {  	[sflag:s23] =	ssyncset.done $0x0  }
0xa4: {  	s25 =	simm.s32 $0x1B8E;
	s24 =	sld [smem:$0x3FFE];
	[sflag:s23] =	ssyncadd.s32 $0xFFFFFFFF  }
0xa5: {  	s26 =	simm.s32 $execute0_lowered;
	[smem:$0x3FD2] =	sst s25  }
0xa6: {  	s4 =	sshll.u32 s26, $0x1;
	_ =	strace $0x80000046;
	[dreg:$0x1] =	wrdreg $0xFFFFFFFF  }
0xa7: {  	s28 =	simm.s32 $_size_execute0_lowered;
	s2 =	sadd.s32 s2, s4;
	[dreg:$0x0] =	wrdreg $0x0  }
0xa8: {  	s4 =	sshll.u32 s28, $0x1;
	[dreg:$0x2] =	wrdreg s2  }
0xa9: {  	[dreg:$0x3] =	wrdreg s4  }
0xaa: {  	[dreg:$0x4] =	wrdreg $0xC0  }
0xab: {  	_ =	task [dreg:s6], $0x5FFFF  }
0xac: {  	[dreg:$0x1] =	wrdreg $0xFFFFFFFF  }
0xad: {  	[dreg:$0x0] =	wrdreg $0x60  }
0xae: {  	[dreg:$0x2] =	wrdreg s24  }
0xaf: {  	[dreg:$0x3] =	wrdreg $0x9  }
0xb0: {  	_ =	task.clear_ibuf [dreg:s6], $0x4FFFF;
	_ =	strace $0x90000046  }
0xb1: {  	s29 =	simm.s32 $0x9;
	_ =	strace $0x80000048  }
0xb2: {  	_ =	swait.ge [sflag:s29], $0x1  }
0xb3: {  	[sflag:s29] =	ssyncadd.s32 $0xFFFFFFFF  }
0xb4: {  	_ =	strace $0x90000048  }
0xb5: {  	_ =	sfence  }
0xb6: {  	s30 =	sld [smem:$0x0];
	_ =	sdelay $0x2  }
0xb7: {  	s31 =	sshll.u32 s1, $0xD;
	s1 =	sshrl.u32 s1, $0x2  }
0xb8: {  	s3 =	sand.u32 $0x4000, s31;
	s1 =	sadd.s32 s1, s30  }
0xb9: {  	s0 =	sor.u32 s3, s0;
	s1 =	sshll.u32 s1, $0x11  }
0xba: {  	s0 =	sor.u32 s1, s0  }
0xbb: {  	s0 =	sadd.s32 $0x8F2B, s0  }
0xbc: {  	[sflag:s0] =	ssyncadd.remote.s32 $0x1  }
0xbd: {  	_ =	sfence.sel $0xFFFF  }
0xbe: {  	[dreg:$0x0] =	wrdreg $0xFFFFFFFF;
	(pc) =	sbr.abs _section_cstart, $3  }
0xbf: {  	[dreg:$0x1] =	wrdreg $0xFFFFFFFF  }
0xc0: {  	_ =	task.clear_ibuf [dreg:s6], $0x2FFFF;
	_ =	strace $0x9FFFFFFF  }
0xc1: {  	(tm) =	ssettm $0x7FFFFFFF  }
tec
execute0_lowered:
.L_overlay_start_1:
0x0: {  	(tag) =	ssettag $0x1  }
0x1: {  	s1 =	srdreg.scid  }
0x2: {  	s0 =	stileid.u32;
	s5 =	rddreg [dreg:$0x0]  }
0x3: {  	s2 =	simm.s32 $0x0;
	s8 =	simm.s32 $0x80;
	s9 =	simm.s32 $0x400  }
0x4: {  	s10 =	simm.s32 $0x0;
	s3 =	sand.u32 $0x1, s1;
	s29 =	sshll.u32 s0, $0x1  }
0x5: {  	s30 =	sshrl.u32 s0, $0x2;
	s1 =	rddreg [dreg:$0x1];
	s4 =	sor.u32 s3, s29  }
0x6: {  	[smem:$0x7FF] =	sst s2;
	s6 =	smul.u32 $0x14000, s30;
	s7 =	sshll.u32 s4, $0x7  }
0x7: {  	s3 =	ssub.s32 $0x2, s3;
	s4 =	smul.u32 $0x2780, s4;
	s7 =	sand.u32 $0x380, s7  }
0x8: {  	_ =	strace $0x80000047;
	s31 =	sshrl.u32 s3, $0x1;
	s6 =	sor.u32 s6, s7  }
0x9: {  	s4 =	sadd.s32 s4, s5;
	s7 =	simm.s32 $0x13C00;
	s6 =	sshrl.u32 s6, $0x3  }
0xa: {  	s5 =	sadd.s32 s6, s5;
	s6 =	ssub.s32 s3, s31;
	s3 =	sadd.s32 $0x1A00, s4  }
0xb: {  	v0 =	vimm.f32 $0.0e+00;
	v1 =	vimm.f32 $1.000000000e+00;
	s4 =	sadd.s32 $0x50A00, s5;
	s5 =	smax.u32 s6, $0x1;
	s6 =	simm.s32 $0x1  }
.LBB2_1:
0xc: {  	[tilespmem:s2], [sflag:$0x1] =	stream.linear.gather [hbm4b:s3+s2], $0x13A00, $0x38;
	[tilespmem:$0x16400] =	vst v63  }
0xd: {  	_ =	swait.ge [sflag:s6], $0x13A00  }
0xe: {  	[sflag:s6] =	ssyncset.done $0x0  }
0xf: {  	s11 =	simm.s32 $0x0;
	[sflag:s6] =	ssyncadd.s32 $0xFFFEC600  }
.LBB2_2:
0x10: {  	p0 =	sne.s32 s11, $0x9FC0  }
.Ltmp0:
0x11: {  	_ = 	snop;
	(pc) =	sbr.rel @p0 .LBB2_2-.Ltmp0, $3  }
0x12: {  	_ =	sdelay $0x1  }
0x13: {  	s12 =	sshra.s32 s11, $0x2  }
0x14: {  	s11 =	sadd.s32 $0x40, s11;
	[tilespmem:s12+$0x13C00] =	vst v0  }
0x15: {  	s11 =	simm.s32 $0x0  }
.LBB2_4:
0x16: {  	s12 =	sshra.s32 s11, $0x2  }
0x17: {  	v2 =	vld [tilespmem:s12+$0x0];
	_ =	sdelay $0x7  }
0x18: {  	[tilespmem:v2+s7+$0x0] =	vst.idx.add.f32.msk $0xffff, v1  }
0x19: {  	v2 =	vld [tilespmem:s12+$0x80];
	_ =	sdelay $0x7  }
0x1a: {  	[tilespmem:v2+s7+$0x0] =	vst.idx.add.f32.msk $0xffff, v1  }
0x1b: {  	v2 =	vld [tilespmem:s12+$0x100];
	_ =	sdelay $0x7  }
0x1c: {  	[tilespmem:v2+s7+$0x0] =	vst.idx.add.f32.msk $0xffff, v1  }
0x1d: {  	v2 =	vld [tilespmem:s12+$0x180];
	_ =	sdelay $0x2  }
0x1e: {  	p0 =	sne.s32 s11, $0x4E000  }
.Ltmp1:
0x1f: {  	_ = 	snop;
	(pc) =	sbr.rel @p0 .LBB2_4-.Ltmp1, $2  }
0x20: {  	_ =	sdelay $0x2  }
0x21: {  	s11 =	sadd.s32 $0x800, s11;
	[tilespmem:v2+s7+$0x0] =	vst.idx.add.f32.msk $0xffff, v1  }
0x22: {  	s10 =	sadd.s32 $0x1, s10  }
0x23: {  	p0 =	sne.s32 s10, s5  }
.Ltmp2:
0x24: {  	_ = 	snop;
	(pc) =	sbr.rel @p0 .LBB2_1-.Ltmp2, $4  }
0x25: {  	[hbm4b:s4+s8] =	stream.strided.scatter [tilespmem:s7], [sflag:$0x1], $0x2800, s9, s8, $0x38;
	[tilespmem:$0x16400] =	vst v63  }
0x26: {  	_ =	swait.ge [sflag:s6], $0x2800  }
0x27: {  	[sflag:s6] =	ssyncset.done $0x0  }
0x28: {  	[sflag:s6] =	ssyncadd.s32 $0xFFFFD800  }
0x29: {  	_ =	sfence.sel $0x180000  }
0x2a: {  	[bflag:$0x0] =	sbarrier.arrive $0xFFFF  }
0x2b: {  	p0 =	sne.s32 s0, $0x0;
	_ =	strace $0x90000047  }
0x2c: {  	s0 =	sadd.s32 @!p0 $0x100000, s1;
	[bflag:$0x2] =	sbarrier.arrive $0xFFFF  }
0x2d: {  	[sflag:s0] =	ssyncadd.tile.s32 @!p0 $0x1;
	_ =	shalt  }
.Lfunc_end2:
_tile_overlayer_lowered:
.L_overlay_start_2:
0x2e: {  	(tag) =	ssettag $0x2  }
0x2f: {  	s0 =	rddreg [dreg:$0x0];
	s2 =	stileid.u32  }
0x30: {  	s1 =	rddreg [dreg:$0x1];
	p0 =	sne.s32 s2, $0x0  }
0x31: {  	s3 =	rddreg [dreg:$0x2];
	[bflag:$0x3] =	sbarrier.arrive $0xFFFF;
	s2 =	simm.s32 @!p0 $0x1C01  }
0x32: {  	[timem:s3], [sflag:s2] =	dma.local @!p0 [hbm:s0], s1  }
0x33: {  	s0 =	simm.s32 @!p0 $0x1  }
0x34: {  	_ =	swait.ge @!p0 [sflag:s0], s1  }
0x35: {  	s1 =	ssub.s32 @!p0 $0x0, s1;
	[sflag:s0] =	ssyncset.done @!p0 $0x0  }
0x36: {  	[sflag:s0] =	ssyncadd.s32 @!p0 s1  }
0x37: {  	[bflag:$0x3] =	sbarrier.arrive $0xFFFF  }
0x38: {  	_ =	shalt  }

// kernel: kernel.9.cloned.1.call-start
scs
__scs_entry_jumppad:
0x0: {  	(pc) =	sbr.rel $0x88, $3  }
0x1: {  	(tag) =	ssettag $0x0;
	lr =	simm.s32 $0x1  }
0x2: {  	[smem:$0x3F9D] =	sst lr;
	_ =	strace $0xD0000000  }
0x3: {  	_ = 	snop  }
0x4: {  	_ = 	snop  }
0x5: {  	_ = 	snop  }
0x6: {  	_ = 	snop  }
0x7: {  	_ = 	snop  }
__scs_overlays_trampoline_lowered:
0x8: {  	[smem:$0x3FAC] =	sst s0  }
0x9: {  	[smem:$0x3FAD] =	sst s1  }
0xa: {  	[smem:$0x3FAE] =	sst s2  }
0xb: {  	[smem:$0x3FAF] =	sst s3  }
0xc: {  	[smem:$0x3FB0] =	sst s4  }
0xd: {  	[smem:$0x3FB1] =	sst s5  }
0xe: {  	[smem:$0x3FB2] =	sst s6  }
0xf: {  	[smem:$0x3FB3] =	sst s7  }
0x10: {  	[smem:$0x3FB4] =	sst s8  }
0x11: {  	[smem:$0x3FB5] =	sst s9;
	s0 =	simm.s32 @!p0 $0x0  }
0x12: {  	s1 =	sld [smem:$0x3F9B];
	s0 =	simm.s32 @p0 $0x1  }
0x13: {  	[smem:$0x3FB6] =	sst s0;
	s0 =	simm.s32 @!p1 $0x0  }
0x14: {  	s2 =	sld [smem:$0x3F9A];
	s0 =	simm.s32 @p1 $0x1  }
0x15: {  	[smem:$0x3FB7] =	sst s0;
	s0 =	simm.s32 @!p2 $0x0  }
0x16: {  	s3 =	sld [smem:$0x3FDB];
	s0 =	simm.s32 @p2 $0x1  }
0x17: {  	s4 =	simm.s32 $0x1BF5;
	[smem:$0x3FB9] =	sst s0  }
0x18: {  	s0 =	sld [smem:$0x3F9C];
	_ =	swait.ge [sflag:s4], $0x0  }
0x19: {  	s7 =	sld [smem:$0x3F9D]  }
0x1a: {  	s8 =	sadd.s32 $0xFFFFE003, lr  }
0x1b: {  	s9 =	sadd.s32 $0xFFFFFEF7, lr;
	s5 =	simm.s32 $0xFFFFFFFF;
	p2 =	slt.u32 s8, $0xFFFFF086  }
0x1c: {  	p1 =	slt.u32 s9, $0xF7A;
	s5 =	simm.s32 @!p2 $0x0  }
0x1d: {  	s5 =	simm.s32 @p1 $0x1;
	p0 =	seq.s32 s7, s2  }
0x1e: {  	s7 =	smul.u32 @!p0 $0xF7A, s2;
	p2 =	seq.s32 @!p0 s5, $0x0  }
0x1f: {  	s9 =	smul.u32 $0xF7A, s1;
	s8 =	simm.s32 @!p0 $0x1BF5;
	p2 =	por !p2, p0  }
0x20: {  	[sflag:s8] =	ssyncset.s32 @!p0 $0xFFFFF086;
	s6 =	sadd.s32 @!p0 s3, s7;
	s7 =	simm.s32 @!p0 $0x108  }
0x21: {  	s3 =	sadd.s32 s3, s9;
	s6 =	sadd.s32 @!p0 $0x88, s6;
	s7 =	simm.s32 @p2 $0x1082  }
0x22: {  	[simem:s7], [sflag:s8] =	dma.local @!p0 [hbm:s6], $0xF7A  }
0x23: {  	s9 =	sor.u32 $0xD0000000, s2;
	s6 =	simm.s32 $0x108;
	_ =	swait.ge @!p0 [sflag:s8], $0x0  }
0x24: {  	s3 =	sadd.s32 $0x88, s3;
	s6 =	simm.s32 @!p1 $0x1082;
	[sflag:s4] =	ssyncset.s32 $0xFFFFF086  }
0x25: {  	[simem:s6], [sflag:s4] =	dma.local [hbm:s3], $0xF7A  }
0x26: {  	[smem:$0x3F9D] =	sst s1;
	(tag) =	ssettag s2;
	_ =	strace s9  }
0x27: {  	s1 =	sld [smem:$0x3FAD]  }
0x28: {  	s2 =	sld [smem:$0x3FAE]  }
0x29: {  	s4 =	sld [smem:$0x3FB0]  }
0x2a: {  	p0 =	seq.s32 s5, $0x0;
	s5 =	sld [smem:$0x3FB1]  }
0x2b: {  	s6 =	sld [smem:$0x3FB2]  }
0x2c: {  	s7 =	sld [smem:$0x3FB3]  }
0x2d: {  	s3 =	simm.s32 $0x108;
	s8 =	sld [smem:$0x3FB4]  }
0x2e: {  	s3 =	simm.s32 @!p0 $0x1082;
	s9 =	sld [smem:$0x3FB5]  }
0x2f: {  	lr =	sadd.s32 s0, s3;
	s0 =	sld [smem:$0x3FAC]  }
0x30: {  	s3 =	sld [smem:$0x3FAF]  }
0x31: {  	[smem:$0x3FB8] =	sst s10  }
0x32: {  	s10 =	sld [smem:$0x3FB6];
	_ =	sdelay $0x3  }
0x33: {  	p0 =	seq.s32 s10, $0x1;
	s10 =	sld [smem:$0x3FB8];
	_ =	sdelay $0x3  }
0x34: {  	[smem:$0x3FB8] =	sst s10  }
0x35: {  	s10 =	sld [smem:$0x3FB7];
	_ =	sdelay $0x3  }
0x36: {  	p1 =	seq.s32 s10, $0x1;
	s10 =	sld [smem:$0x3FB8];
	_ =	sdelay $0x3  }
0x37: {  	[smem:$0x3FB8] =	sst s10  }
0x38: {  	s10 =	sld [smem:$0x3FB9]  }
0x39: {  	_ = 	snop;
	(pc) =	sbr.ind lr, $3  }
0x3a: {  	_ = 	snop  }
0x3b: {  	_ = 	snop  }
0x3c: {  	p2 =	seq.s32 s10, $0x1;
	s10 =	sld [smem:$0x3FB8]  }
0x3d: {  	_ =	shalt  }
0x3e: {  	_ =	shalt  }
0x3f: {  	_ =	shalt  }
0x40: {  	_ =	shalt  }
0x41: {  	_ =	shalt  }
0x42: {  	_ =	shalt  }
0x43: {  	_ =	shalt  }
0x44: {  	_ =	shalt  }
0x45: {  	_ =	shalt  }
0x46: {  	_ =	shalt  }
0x47: {  	_ =	shalt  }
0x48: {  	_ =	shalt  }
0x49: {  	_ =	shalt  }
0x4a: {  	_ =	shalt  }
0x4b: {  	_ =	shalt  }
0x4c: {  	_ =	shalt  }
0x4d: {  	_ =	shalt  }
0x4e: {  	_ =	shalt  }
0x4f: {  	_ =	shalt  }
0x50: {  	_ =	shalt  }
0x51: {  	_ =	shalt  }
0x52: {  	_ =	shalt  }
0x53: {  	_ =	shalt  }
0x54: {  	_ =	shalt  }
0x55: {  	_ =	shalt  }
0x56: {  	_ =	shalt  }
0x57: {  	_ =	shalt  }
0x58: {  	_ =	shalt  }
0x59: {  	_ =	shalt  }
0x5a: {  	_ =	shalt  }
0x5b: {  	_ =	shalt  }
0x5c: {  	_ =	shalt  }
0x5d: {  	_ =	shalt  }
0x5e: {  	_ =	shalt  }
0x5f: {  	_ =	shalt  }
0x60: {  	_ =	shalt  }
0x61: {  	_ =	shalt  }
0x62: {  	_ =	shalt  }
0x63: {  	_ =	shalt  }
0x64: {  	_ =	shalt  }
0x65: {  	_ =	shalt  }
0x66: {  	_ =	shalt  }
0x67: {  	_ =	shalt  }
0x68: {  	_ =	shalt  }
0x69: {  	_ =	shalt  }
0x6a: {  	_ =	shalt  }
0x6b: {  	_ =	shalt  }
0x6c: {  	_ =	shalt  }
0x6d: {  	_ =	shalt  }
0x6e: {  	_ =	shalt  }
0x6f: {  	_ =	shalt  }
0x70: {  	_ =	shalt  }
0x71: {  	_ =	shalt  }
0x72: {  	_ =	shalt  }
0x73: {  	_ =	shalt  }
0x74: {  	_ =	shalt  }
0x75: {  	_ =	shalt  }
0x76: {  	_ =	shalt  }
0x77: {  	_ =	shalt  }
0x78: {  	_ =	shalt  }
0x79: {  	_ =	shalt  }
0x7a: {  	_ =	shalt  }
0x7b: {  	_ =	shalt  }
0x7c: {  	_ =	shalt  }
0x7d: {  	_ =	shalt  }
0x7e: {  	_ =	shalt  }
0x7f: {  	_ =	shalt  }
0x80: {  	_ =	shalt  }
0x81: {  	_ =	shalt  }
0x82: {  	_ =	shalt  }
0x83: {  	_ =	shalt  }
0x84: {  	_ =	shalt  }
0x85: {  	_ =	shalt  }
0x86: {  	_ =	shalt  }
0x87: {  	_ =	shalt  }
.Lfunc_end0:
.L_simem_size_0:
called_computation.1_lowered:
.L_overlay_start_0:
0x88: {  	s2 =	sld [smem:$0x3FD9]  }
0x89: {  	s3 =	sld [smem:$0x3FFE];
	_ =	sdelay $0x1  }
0x8a: {  	s1 =	srdreg.scid  }
0x8b: {  	s0 =	sand.u32 $0x1, s1  }
0x8c: {  	s17 =	sshll.u32 s0, $0xA;
	s2 =	sadd.s32 s3, s2  }
0x8d: {  	s2 =	sadd.s32 s2, s17  }
0x8e: {  	[smem:$0x3FC4] =	sst s2  }
0x8f: {  	_ = 	snop  }
0x90: {  	s2 =	sld [smem:$0x3FD0];
	(tm) =	ssettm $0x1  }
0x91: {  	s18 =	sld [smem:$0x3FFB];
	_ =	sdelay $0x3  }
0x92: {  	_ =	strace s18  }
0x93: {  	s3 =	sld [smem:$0x3FFC];
	_ =	sdelay $0x3  }
0x94: {  	_ =	strace s3  }
0x95: {  	s3 =	sld [smem:$0x3FFD];
	_ =	sdelay $0x3  }
0x96: {  	_ =	strace s3  }
0x97: {  	_ =	strace $0x8FFFFFFF  }
0x98: {  	s19 =	sld [smem:$0x3FDB];
	_ =	sdelay $0x1  }
0x99: {  	s4 =	simm.s32 $_scs_section_size  }
0x9a: {  	s5 =	simm.s32 $_size__tile_overlayer_lowered;
	s6 =	simm.s32 $_tile_overlayer_lowered  }
0x9b: {  	s22 =	simm.s32 $0x1BFF;
	s21 =	sshll.u32 s6, $0x1;
	s3 =	sadd.s32 s4, s19  }
0x9c: {  	s7 =	simm.s32 $0x0;
	s20 =	sshll.u32 s5, $0x1;
	s5 =	sadd.s32 s21, s3  }
0x9d: {  	[timem:s7], [sflag:s22] =	dma.local [hbm:s5], s20  }
0x9e: {  	_ =	swait.ge [sflag:s22], s20  }
0x9f: {  	s4 =	ssub.s32 $0x0, s20;
	[sflag:s22] =	ssyncset.done $0x0  }
0xa0: {  	[sflag:s22] =	ssyncadd.s32 s4;
	_ =	sdelay $0x1  }
0xa1: {  	s23 =	simm.s32 $0x1B8B  }
0xa2: {  	_ =	swait.ge [sflag:s23], $0x1  }
0xa3: {  	[sflag:s23] =	ssyncset.done $0x0  }
0xa4: {  	s25 =	simm.s32 $0x1B8E;
	s24 =	sld [smem:$0x3FFE];
	[sflag:s23] =	ssyncadd.s32 $0xFFFFFFFF  }
0xa5: {  	s26 =	simm.s32 $execute0_lowered;
	[smem:$0x3FD2] =	sst s25  }
0xa6: {  	s5 =	sshll.u32 s26, $0x1;
	_ =	strace $0x80000049;
	[dreg:$0x1] =	wrdreg $0xFFFFFFFF  }
0xa7: {  	s28 =	simm.s32 $_size_execute0_lowered;
	s3 =	sadd.s32 s3, s5;
	[dreg:$0x0] =	wrdreg $0x0  }
0xa8: {  	s5 =	sshll.u32 s28, $0x1;
	[dreg:$0x2] =	wrdreg s3  }
0xa9: {  	[dreg:$0x3] =	wrdreg s5  }
0xaa: {  	[dreg:$0x4] =	wrdreg $0xC0  }
0xab: {  	_ =	task [dreg:s7], $0x5FFFF  }
0xac: {  	[dreg:$0x1] =	wrdreg $0xFFFFFFFF  }
0xad: {  	[dreg:$0x0] =	wrdreg $0x60  }
0xae: {  	[dreg:$0x2] =	wrdreg s24  }
0xaf: {  	[dreg:$0x3] =	wrdreg s2  }
0xb0: {  	[dreg:$0x4] =	wrdreg $0xA9000  }
0xb1: {  	[dreg:$0x5] =	wrdreg $0x9  }
0xb2: {  	_ =	task.clear_ibuf [dreg:s7], $0x6FFFF;
	_ =	strace $0x90000049  }
0xb3: {  	s29 =	simm.s32 $0x9;
	_ =	strace $0x8000004B  }
0xb4: {  	_ =	swait.ge [sflag:s29], $0x1  }
0xb5: {  	[sflag:s29] =	ssyncadd.s32 $0xFFFFFFFF  }
0xb6: {  	_ =	strace $0x9000004B  }
0xb7: {  	_ =	sfence  }
0xb8: {  	s30 =	sld [smem:$0x0];
	_ =	sdelay $0x2  }
0xb9: {  	s31 =	sshll.u32 s1, $0xD;
	s1 =	sshrl.u32 s1, $0x2  }
0xba: {  	s3 =	sand.u32 $0x4000, s31;
	s1 =	sadd.s32 s1, s30  }
0xbb: {  	s0 =	sor.u32 s3, s0;
	s1 =	sshll.u32 s1, $0x11  }
0xbc: {  	s0 =	sor.u32 s1, s0  }
0xbd: {  	s0 =	sadd.s32 $0x8F2B, s0  }
0xbe: {  	[sflag:s0] =	ssyncadd.remote.s32 $0x1  }
0xbf: {  	_ =	sfence.sel $0xFFFF  }
0xc0: {  	[dreg:$0x0] =	wrdreg $0xFFFFFFFF;
	(pc) =	sbr.abs _section_cstart, $3  }
0xc1: {  	[dreg:$0x1] =	wrdreg $0xFFFFFFFF  }
0xc2: {  	_ =	task.clear_ibuf [dreg:s7], $0x2FFFF;
	_ =	strace $0x9FFFFFFF  }
0xc3: {  	(tm) =	ssettm $0x7FFFFFFF  }
tec
execute0_lowered:
.L_overlay_start_1:
0x0: {  	(tag) =	ssettag $0x1  }
0x1: {  	s4 =	rddreg [dreg:$0x0]  }
0x2: {  	s1 =	srdreg.scid;
	s5 =	rddreg [dreg:$0x1]  }
0x3: {  	s0 =	stileid.u32;
	s7 =	rddreg [dreg:$0x2];
	s2 =	simm.s32 $0x0  }
0x4: {  	s15 =	simm.s32 $0x2880;
	s19 =	simm.s32 $0x1;
	s20 =	simm.s32 $0x6900  }
0x5: {  	s21 =	simm.s32 $0x8900;
	s22 =	simm.s32 $0x3;
	s23 =	simm.s32 $0x2  }
0x6: {  	s24 =	simm.s32 $0x4;
	s25 =	simm.s32 $0x0;
	s6 =	sand.u32 $0x1, s1  }
0x7: {  	s30 =	sshll.u32 s0, $0x1;
	s1 =	rddreg [dreg:$0x3];
	s9 =	smul.u32 $0x2800, s0  }
0x8: {  	[smem:$0x7FF] =	sst s2;
	s11 =	smul.u32 $0x50000, s0;
	s16 =	sshll.u32 s0, $0x6  }
0x9: {  	s3 =	sor.u32 s6, s30;
	_ =	strace $0x8000004A;
	s10 =	smul.u32 $0x28000, s6  }
0xa: {  	s6 =	ssub.s32 $0x2, s6;
	s16 =	sor.u32 $0x1C05, s16;
	s8 =	smul.u32 $0x500, s3  }
0xb: {  	s3 =	sadd.s32 $0x1A00, s4;
	s13 =	sshrl.u32 s6, $0x1;
	s31 =	sshrl.u32 s11, $0x2  }
0xc: {  	s11 =	simm.s32 $0x2900;
	s10 =	sadd.s32 s9, s10;
	s13 =	ssub.s32 s6, s13  }
0xd: {  	s17 =	sadd.s32 s31, s7;
	s6 =	sadd.s32 s3, s9;
	s9 =	simm.s32 $0x5  }
0xe: {  	s12 =	sadd.s32 s8, s4;
	s10 =	sadd.s32 s10, s4;
	s4 =	sadd.s32 s5, s8  }
0xf: {  	s8 =	smax.u32 s13, $0x1;
	s13 =	simm.s32 $0x2800;
	s17 =	sshrl.u32 s17, $0x3  }
0x10: {  	s5 =	sadd.s32 $0x5AA00, s12;
	s7 =	sadd.s32 $0x64A00, s10;
	s10 =	simm.s32 $0x40  }
0x11: {  	s12 =	simm.s32 $0x4900;
	s14 =	sadd.s32 $0x10, s5;
	s18 =	sadd.s32 $0x30, s5  }
.LBB2_1:
0x12: {  	[tilespmem:s2], [sflag:$0x5] =	stream.linear.gather [hbm4b:s4+s2], $0x2780, $0x38;
	[tilespmem:$0x1E900] =	vst v63  }
0x13: {  	_ =	swait.ge [sflag:s9], $0x2780  }
0x14: {  	[sflag:s9] =	ssyncset.done $0x0  }
0x15: {  	[sflag:s9] =	ssyncadd.s32 $0xFFFFD880  }
0x16: {  	[tilespmem:s11], [sflag:$0x1] =	stream.indirect.gather [hbm4b:s3+s10], $0x80, s2, s10, $0xb8;
	[tilespmem:$0x1E900] =	vst v63  }
0x17: {  	_ = 	snop  }
0x18: {  	[tilespmem:s12], [sflag:$0x1] =	stream.indirect.gather [hbm4b:s3+s10], $0x80, s10, s10, $0xb8;
	[tilespmem:$0x1E900] =	vst v63  }
0x19: {  	_ = 	snop  }
0x1a: {  	[tilespmem:s13], [sflag:$0x3] =	stream.linear.gather [hbm4b:s5+s2], $0x80, $0x38;
	[tilespmem:$0x1E900] =	vst v63  }
0x1b: {  	_ = 	snop  }
0x1c: {  	[tilespmem:s15], [sflag:$0x4] =	stream.linear.gather [hbm4b:s14+s2], $0x80, $0x38;
	[tilespmem:$0x1E900] =	vst v63  }
0x1d: {  	[spmem:s17], [sflag:s16] =	dma.local [hbm:s6], $0x2800  }
0x1e: {  	_ =	swait.ge [sflag:s9], $0x2800  }
0x1f: {  	[sflag:s9] =	ssyncset.done $0x0  }
0x20: {  	[sflag:s9] =	ssyncadd.s32 $0xFFFFD800  }
0x21: {  	[bflag:$0x0] =	sbarrier.arrive $0xFFFF  }
0x22: {  	_ =	swait.ge [sflag:s19], $0x4000  }
0x23: {  	[sflag:s19] =	ssyncset.done $0x0  }
0x24: {  	s26 =	simm.s32 $0x80;
	[sflag:s19] =	ssyncadd.s32 $0xFFFFC000  }
0x25: {  	[tilespmem:s20], [sflag:$0x2] =	stream.indirect.gather [hbm4b:s3+s10], $0x80, s26, s10, $0xb8;
	[tilespmem:$0x1E900] =	vst v63  }
0x26: {  	s30 =	simm.s32 $0xC0  }
0x27: {  	[tilespmem:s21], [sflag:$0x2] =	stream.indirect.gather [hbm4b:s3+s10], $0x80, s30, s10, $0xb8;
	[tilespmem:$0x1E900] =	vst v63  }
0x28: {  	_ =	swait.ge [sflag:s22], $0x80  }
0x29: {  	[sflag:s22] =	ssyncset.done $0x0  }
0x2a: {  	s31 =	sadd.s32 $0xFFFFFFF0, s18;
	[sflag:s22] =	ssyncadd.s32 $0xFFFFFF80  }
0x2b: {  	[tilespmem:s13], [sflag:$0x3] =	stream.linear.gather [hbm4b:s31+s2], $0x80, $0x38;
	[tilespmem:$0x1E900] =	vst v63  }
0x2c: {  	_ =	swait.ge [sflag:s23], $0x4000  }
0x2d: {  	[sflag:s23] =	ssyncset.done $0x0  }
0x2e: {  	s30 =	simm.s32 $0x100;
	[sflag:s23] =	ssyncadd.s32 $0xFFFFC000  }
0x2f: {  	[tilespmem:s11], [sflag:$0x1] =	stream.indirect.gather [hbm4b:s3+s10], $0x80, s30, s10, $0xb8;
	[tilespmem:$0x1E900] =	vst v63  }
0x30: {  	s31 =	simm.s32 $0x140  }
0x31: {  	[tilespmem:s12], [sflag:$0x1] =	stream.indirect.gather [hbm4b:s3+s10], $0x80, s31, s10, $0xb8;
	[tilespmem:$0x1E900] =	vst v63  }
0x32: {  	_ =	swait.ge [sflag:s24], $0x80  }
0x33: {  	s28 =	sadd.s32 $0x20, s18;
	[sflag:s24] =	ssyncset.done $0x0  }
0x34: {  	s29 =	smov.u32 s18;
	s26 =	simm.s32 $0x400;
	[sflag:s24] =	ssyncadd.s32 $0xFFFFFF80  }
.LBB2_2:
0x35: {  	[tilespmem:s15], [sflag:$0x4] =	stream.linear.gather [hbm4b:s29+s2], $0x80, $0x38;
	[tilespmem:$0x1E900] =	vst v63  }
0x36: {  	s30 =	smov.u32 s26;
	s29 =	smov.u32 s28  }
0x37: {  	p0 =	sne.s32 s26, $0x9800;
	s26 =	sadd.s32 $0x400, s26;
	_ =	swait.ge [sflag:s19], $0x4000  }
0x38: {  	s30 =	sshra.s32 s30, $0x2;
	[sflag:s19] =	ssyncset.done $0x0  }
0x39: {  	s31 =	sadd.s32 $0x80, s30;
	[sflag:s19] =	ssyncadd.s32 $0xFFFFC000  }
0x3a: {  	[tilespmem:s20], [sflag:$0x2] =	stream.indirect.gather [hbm4b:s3+s10], $0x80, s31, s10, $0xb8;
	[tilespmem:$0x1E900] =	vst v63  }
0x3b: {  	s31 =	sadd.s32 $0xC0, s30  }
0x3c: {  	[tilespmem:s21], [sflag:$0x2] =	stream.indirect.gather [hbm4b:s3+s10], $0x80, s31, s10, $0xb8;
	[tilespmem:$0x1E900] =	vst v63  }
0x3d: {  	_ =	swait.ge [sflag:s22], $0x80  }
0x3e: {  	[sflag:s22] =	ssyncset.done $0x0  }
0x3f: {  	s31 =	sadd.s32 $0xFFFFFFF0, s28;
	[sflag:s22] =	ssyncadd.s32 $0xFFFFFF80  }
0x40: {  	[tilespmem:s13], [sflag:$0x3] =	stream.linear.gather [hbm4b:s31+s2], $0x80, $0x38;
	[tilespmem:$0x1E900] =	vst v63  }
0x41: {  	_ =	swait.ge [sflag:s23], $0x4000  }
0x42: {  	[sflag:s23] =	ssyncset.done $0x0  }
0x43: {  	s31 =	sadd.s32 $0x100, s30;
	[sflag:s23] =	ssyncadd.s32 $0xFFFFC000  }
0x44: {  	[tilespmem:s11], [sflag:$0x1] =	stream.indirect.gather [hbm4b:s3+s10], $0x80, s31, s10, $0xb8;
	[tilespmem:$0x1E900] =	vst v63  }
.Ltmp0:
0x45: {  	s30 =	sadd.s32 $0x140, s30;
	(pc) =	sbr.rel @p0 .LBB2_2-.Ltmp0, $4  }
0x46: {  	[tilespmem:s12], [sflag:$0x1] =	stream.indirect.gather [hbm4b:s3+s10], $0x80, s30, s10, $0xb8;
	[tilespmem:$0x1E900] =	vst v63  }
0x47: {  	_ =	swait.ge [sflag:s24], $0x80  }
0x48: {  	[sflag:s24] =	ssyncset.done $0x0  }
0x49: {  	s28 =	sadd.s32 $0x20, s28;
	[sflag:s24] =	ssyncadd.s32 $0xFFFFFF80  }
0x4a: {  	[tilespmem:s15], [sflag:$0x4] =	stream.linear.gather [hbm4b:s29+s2], $0x80, $0x38;
	[tilespmem:$0x1E900] =	vst v63  }
0x4b: {  	_ =	swait.ge [sflag:s19], $0x4000  }
0x4c: {  	[sflag:s19] =	ssyncset.done $0x0  }
0x4d: {  	[sflag:s19] =	ssyncadd.s32 $0xFFFFC000  }
0x4e: {  	_ =	swait.ge [sflag:s22], $0x80  }
0x4f: {  	[sflag:s22] =	ssyncset.done $0x0  }
0x50: {  	[sflag:s22] =	ssyncadd.s32 $0xFFFFFF80  }
0x51: {  	_ =	swait.ge [sflag:s24], $0x80  }
0x52: {  	s25 =	sadd.s32 $0x1, s25;
	[sflag:s24] =	ssyncset.done $0x0  }
0x53: {  	p0 =	sne.s32 s25, s8;
	[sflag:s24] =	ssyncadd.s32 $0xFFFFFF80  }
.Ltmp1:
0x54: {  	[bflag:$0x0] =	sbarrier.arrive $0xFFFF;
	(pc) =	sbr.rel @p0 .LBB2_1-.Ltmp1, $4  }
0x55: {  	[hbm:s7], [sflag:s16] =	dma.local [spmem:s17], $0x2800  }
0x56: {  	_ =	swait.ge [sflag:s9], $0x2800  }
0x57: {  	[sflag:s9] =	ssyncset.done $0x0  }
0x58: {  	[sflag:s9] =	ssyncadd.s32 $0xFFFFD800  }
0x59: {  	_ =	sfence.sel $0x180000  }
0x5a: {  	[bflag:$0x0] =	sbarrier.arrive $0xFFFF  }
0x5b: {  	p0 =	sne.s32 s0, $0x0;
	_ =	strace $0x9000004A  }
0x5c: {  	s0 =	sadd.s32 @!p0 $0x100000, s1;
	[bflag:$0x2] =	sbarrier.arrive $0xFFFF  }
0x5d: {  	[sflag:s0] =	ssyncadd.tile.s32 @!p0 $0x1;
	_ =	shalt  }
.Lfunc_end2:
_tile_overlayer_lowered:
.L_overlay_start_2:
0x5e: {  	(tag) =	ssettag $0x2  }
0x5f: {  	s0 =	rddreg [dreg:$0x0];
	s2 =	stileid.u32  }
0x60: {  	s1 =	rddreg [dreg:$0x1];
	p0 =	sne.s32 s2, $0x0  }
0x61: {  	s3 =	rddreg [dreg:$0x2];
	[bflag:$0x3] =	sbarrier.arrive $0xFFFF;
	s2 =	simm.s32 @!p0 $0x1C05  }
0x62: {  	[timem:s3], [sflag:s2] =	dma.local @!p0 [hbm:s0], s1  }
0x63: {  	s0 =	simm.s32 @!p0 $0x5  }
0x64: {  	_ =	swait.ge @!p0 [sflag:s0], s1  }
0x65: {  	s1 =	ssub.s32 @!p0 $0x0, s1;
	[sflag:s0] =	ssyncset.done @!p0 $0x0  }
0x66: {  	[sflag:s0] =	ssyncadd.s32 @!p0 s1  }
0x67: {  	[bflag:$0x3] =	sbarrier.arrive $0xFFFF  }
0x68: {  	_ =	shalt  }

</sc_bundles>
